<compile_context>
chip_gen: v7x
topology: tpu7x:2x2x1
jax: 0.10.2.dev20260603
libtpu: 0.0.44.dev20260713+nightly
codegen_flags: <defaults>
</compile_context>

<pallas_src>
import functools

import jax
import jax.numpy as jnp
from jax import lax
from jax.experimental import pallas as pl
from jax.experimental.pallas import tpu as pltpu
from jax.experimental.pallas import tpu_sc as plsc

NC = 2
NS = 16
NW = NC * NS
CHUNK = 128


def _round_up(a, b):
    return (a + b - 1) // b * b


def _matmul_z(x, w):
    v_tot, inc = x.shape
    k_tot, _, outc = w.shape
    vb = 1000 if v_tot % 1000 == 0 else v_tot
    nv = v_tot // vb

    def body(x_ref, w_ref, o_ref):
        xb = x_ref[...].astype(jnp.bfloat16)
        for k in range(k_tot):
            o_ref[k] = jnp.dot(xb, w_ref[k].astype(jnp.bfloat16),
                               preferred_element_type=jnp.float32)

    return pl.pallas_call(
        body,
        grid=(nv,),
        in_specs=[
            pl.BlockSpec((vb, inc), lambda v: (v, 0)),
            pl.BlockSpec((k_tot, inc, outc), lambda v: (0, 0, 0)),
        ],
        out_specs=pl.BlockSpec((k_tot, vb, outc), lambda v: (0, v, 0)),
        out_shape=jax.ShapeDtypeStruct((k_tot, v_tot, outc), jnp.float32),
    )(x, w)


def _add_partials4(pa, pb, n_vox):
    _, _, outc = pa.shape
    vb = 2000 if n_vox % 2000 == 0 else n_vox
    nv = n_vox // vb

    def body(a_ref, b_ref, o_ref):
        o_ref[...] = ((a_ref[0] + a_ref[1])
                      + (b_ref[0] + b_ref[1]))

    spec = pl.BlockSpec((NC, vb, outc), lambda v: (0, v, 0))
    return pl.pallas_call(
        body,
        grid=(nv,),
        in_specs=[spec, spec],
        out_specs=pl.BlockSpec((vb, outc), lambda v: (v, 0)),
        out_shape=jax.ShapeDtypeStruct((n_vox, outc), jnp.float32),
    )(pa, pb)


def _make_sc_scatter(outc, acc_rows, n_l):
    rows_per_sub = acc_rows // NS
    mesh = plsc.VectorSubcoreMesh(core_axis_name="c", subcore_axis_name="s")

    @functools.partial(
        pl.kernel,
        mesh=mesh,
        out_type=jax.ShapeDtypeStruct((NC, acc_rows, outc), jnp.float32),
        scratch_types=[
            pltpu.VMEM((n_l, CHUNK), jnp.int32),
            pltpu.VMEM((n_l, CHUNK), jnp.int32),
            pltpu.VMEM((CHUNK, outc), jnp.float32),
            pltpu.VMEM((CHUNK, outc), jnp.float32),
            pltpu.VMEM_SHARED((acc_rows, outc), jnp.float32),
            pltpu.SemaphoreType.DMA,
            pltpu.SemaphoreType.DMA,
        ],
    )
    def sc_scatter(z_hbm, gidx_hbm, sidx_hbm, out_hbm,
                   gidx_v, sidx_v, rows_a, rows_b, acc, sem_a, sem_b):
        c = lax.axis_index("c")
        s = lax.axis_index("s")
        w = c * NS + s
        zero16 = jnp.zeros((16,), jnp.float32)

        def zrow(i, carry):
            for l in range(outc // 16):
                rows_a[i, pl.ds(l * 16, 16)] = zero16
            return carry

        lax.fori_loop(0, CHUNK, zrow, 0)
        for off in range(0, rows_per_sub, CHUNK):
            sz = min(CHUNK, rows_per_sub - off)
            pltpu.sync_copy(
                rows_a.at[pl.ds(0, sz)],
                acc.at[pl.ds(s * rows_per_sub + off, sz)])
        pltpu.sync_copy(gidx_hbm.at[w], gidx_v)
        pltpu.sync_copy(sidx_hbm.at[w], sidx_v)
        plsc.subcore_barrier()

        pltpu.async_copy(z_hbm.at[gidx_v.at[0]], rows_a, sem_a)

        def body(i, carry):
            j = 2 * i
            pltpu.async_copy(z_hbm.at[gidx_v.at[j + 1]], rows_b, sem_b)
            pltpu.make_async_copy(z_hbm.at[gidx_v.at[j]], rows_a,
                                  sem_a).wait()
            pltpu.sync_copy(rows_a, acc.at[sidx_v.at[j]], add=True)

            @pl.when(j + 2 < n_l)
            def _():
                pltpu.async_copy(z_hbm.at[gidx_v.at[j + 2]], rows_a, sem_a)

            pltpu.make_async_copy(z_hbm.at[gidx_v.at[j + 1]], rows_b,
                                  sem_b).wait()
            pltpu.sync_copy(rows_b, acc.at[sidx_v.at[j + 1]], add=True)
            return carry

        lax.fori_loop(0, n_l // 2, body, 0)
        plsc.subcore_barrier()
        pltpu.sync_copy(acc.at[pl.ds(s * rows_per_sub, rows_per_sub)],
                        out_hbm.at[c, pl.ds(s * rows_per_sub,
                                            rows_per_sub)])

    return sc_scatter


def _make_idx(nbr_in_g, nbr_out_g, n_vox, acc_rows):
    kg, e_tot = nbr_in_g.shape
    n_pairs = kg * e_tot
    pairs_pad = _round_up(n_pairs, NW * CHUNK * 2)
    n_l = pairs_pad // (NW * CHUNK)
    koff = (jnp.arange(kg, dtype=jnp.int32) * n_vox)[:, None]
    gflat = (nbr_in_g.astype(jnp.int32) + koff).reshape(-1)
    pad_src = jnp.arange(pairs_pad - n_pairs, dtype=jnp.int32) % (kg * n_vox)
    gidx = jnp.concatenate([gflat, pad_src]).reshape(NW, n_l, CHUNK)
    n_dump = acc_rows - n_vox
    pad_dst = n_vox + jnp.arange(pairs_pad - n_pairs, dtype=jnp.int32) % n_dump
    sidx = jnp.concatenate(
        [nbr_out_g.astype(jnp.int32).reshape(-1), pad_dst]
    ).reshape(NW, n_l, CHUNK)
    return gidx, sidx, n_l


def kernel(x, nbr_in, nbr_out, kernel):
    n_vox, inc = x.shape
    k_tot, e_tot = nbr_in.shape
    outc = kernel.shape[-1]
    acc_rows = _round_up(n_vox + 1, NS * 8)
    h = k_tot * 11 // 27

    za = _matmul_z(x, kernel[:h]).reshape(h * n_vox, outc)
    zb = _matmul_z(x, kernel[h:]).reshape((k_tot - h) * n_vox, outc)

    gidx_a, sidx_a, n_la = _make_idx(nbr_in[:h], nbr_out[:h],
                                     n_vox, acc_rows)
    gidx_b, sidx_b, n_lb = _make_idx(nbr_in[h:], nbr_out[h:],
                                     n_vox, acc_rows)

    pa = _make_sc_scatter(outc, acc_rows, n_la)(za, gidx_a, sidx_a)
    pb = _make_sc_scatter(outc, acc_rows, n_lb)(zb, gidx_b, sidx_b)

    return _add_partials4(pa, pb, n_vox)

# --- scband reference (transcript-rebuilt; emitter-appended) ---
"""Pipeline reference for scband-minkowski-convolution-19155554140408 (READ-ONLY COPY).

The authoritative reference and input builder live on the scoring server;
editing this copy changes nothing except your own understanding.
"""

import jax, jax.numpy as jnp
import numpy as np
import math

N_VOX = 10000
INC = 128
OUTC = 128
K = 27  # 3x3x3 kernel offsets
E = 12000  # pairs per kernel offset


def setup_inputs(seed: int = 0) -> dict:
    key = jax.random.key(seed)
    k1, k2, k3, k4 = jax.random.split(key, 4)
    x = jax.random.normal(k1, (N_VOX, INC), dtype=jnp.float32)
    nbr_in = jax.random.randint(k2, (K, E), 0, N_VOX, dtype=jnp.int64)
    nbr_out = jax.random.randint(k3, (K, E), 0, N_VOX, dtype=jnp.int64)
    # kernel init matches MinkowskiConvolution.init_weight: uniform(-std, std), std = 1/sqrt(inc*k)
    std = 1.0 / math.sqrt(INC * K)
    kernel = jax.random.uniform(k4, (K, INC, OUTC), dtype=jnp.float32, minval=-std, maxval=std)
    return {"x": x, "nbr_in": nbr_in, "nbr_out": nbr_out, "kernel": kernel}


def reference(x, nbr_in, nbr_out, kernel):
    # Faithful core of sparseconv_op (gather -> per-offset matmul -> scatter-add),
    # i.e. the non-transposed, stride=1 path with a precomputed kernel map.
    # nbr_in[k, e]  : input voxel index feeding kernel offset k, pair e
    # nbr_out[k, e] : output voxel index receiving that contribution
    gathered = x[nbr_in]                                   # [K, E, inc] gather
    transformed = jnp.einsum('kei,kio->keo', gathered, kernel)  # per-offset matmul
    out = jnp.zeros((x.shape[0], kernel.shape[-1]), dtype=x.dtype)
    out = out.at[nbr_out.reshape(-1)].add(transformed.reshape(-1, kernel.shape[-1]))  # scatter-add
    return out

if __name__ == "__main__":
    import jax
    _d = setup_inputs()
    print(jax.jit(kernel)(*tuple(_d.values())))

</pallas_src>

<mosaic_0001>
#map = affine_map<(d0, d1) -> (0, 0)>
#map1 = affine_map<(d0, d1) -> (0, 0, 0)>
module attributes {stable_mosaic.version = 14 : i64} {
  func.func @sc_scatter(%arg0: i32, %arg1: i32, %arg2: memref<160000x128xf32, #tpu.memory_space<hbm>>, %arg3: memref<32x48x128xi32, #tpu.memory_space<hbm>>, %arg4: memref<32x48x128xi32, #tpu.memory_space<hbm>>, %arg5: memref<2x10112x128xf32, #tpu.memory_space<hbm>>, %arg6: memref<48x128xi32, #tpu.memory_space<vmem>>, %arg7: memref<48x128xi32, #tpu.memory_space<vmem>>, %arg8: memref<128x128xf32, #tpu.memory_space<vmem>>, %arg9: memref<128x128xf32, #tpu.memory_space<vmem>>, %arg10: memref<10112x128xf32, #tpu.memory_space<vmem_shared>>, %arg11: memref<!tpu.dma_semaphore, #tpu.memory_space<semaphore_mem>>, %arg12: memref<!tpu.dma_semaphore, #tpu.memory_space<semaphore_mem>>) attributes {dimension_semantics = [#tpu.dimension_semantics<core_parallel>, #tpu.dimension_semantics<subcore_parallel>], iteration_bounds = array<i64: 2, 16>, scalar_prefetch = 0 : i64, scratch_operands = 7 : i64, tpu.core_type = #tpu.core_type<sc_vector_subcore>, window_params = [{transform_indices = #map}, {transform_indices = #map1}, {transform_indices = #map1}, {transform_indices = #map1}]} {
    %mul3A = arith.constant 16 : i32
    %mul3A_0 = arith.muli %arg0, %mul3A : i32
    %add3A = arith.addi %mul3A_0, %arg1 : i32
    %broadcast_in_dim3A = arith.constant 0.000000e+00 : f32
    %broadcast_in_dim3A_1 = vector.broadcast %broadcast_in_dim3A : f32 to vector<16xf32>
    %scan3A = arith.constant 0 : i32
    %scan3A_2 = arith.constant 0 : i32
    %scan3A_3 = arith.constant 128 : i32
    %scan3A_4 = arith.addi %scan3A_2, %scan3A_3 : i32
    %scan3A_5 = arith.constant 1 : i32
    scf.for %scan3A_44 = %scan3A_2 to %scan3A_4 step %scan3A_5  : i32 {
      %swap3A = arith.index_cast %scan3A_44 : i32 to index
      %swap3A_45 = arith.constant 0 : index
      %swap3A_46 = tpu.vector_load %arg8[%swap3A, %swap3A_45] {strides = array<i32>} : memref<128x128xf32, #tpu.memory_space<vmem>>, vector<1x16xf32>,
      %swap3A_47 = vector.shape_cast %swap3A_46 : vector<1x16xf32> to vector<16xf32>
      %swap3A_48 = vector.shape_cast %broadcast_in_dim3A_1 : vector<16xf32> to vector<1x16xf32>
      tpu.vector_store %arg8[%swap3A, %swap3A_45], %swap3A_48 {strides = array<i32>} : memref<128x128xf32, #tpu.memory_space<vmem>>, vector<1x16xf32>,
      %swap3A_49 = arith.index_cast %scan3A_44 : i32 to index
      %swap3A_50 = arith.constant 16 : index
      %swap3A_51 = tpu.vector_load %arg8[%swap3A_49, %swap3A_50] {strides = array<i32>} : memref<128x128xf32, #tpu.memory_space<vmem>>, vector<1x16xf32>,
      %swap3A_52 = vector.shape_cast %swap3A_51 : vector<1x16xf32> to vector<16xf32>
      %swap3A_53 = vector.shape_cast %broadcast_in_dim3A_1 : vector<16xf32> to vector<1x16xf32>
      tpu.vector_store %arg8[%swap3A_49, %swap3A_50], %swap3A_53 {strides = array<i32>} : memref<128x128xf32, #tpu.memory_space<vmem>>, vector<1x16xf32>,
      %swap3A_54 = arith.index_cast %scan3A_44 : i32 to index
      %swap3A_55 = arith.constant 32 : index
      %swap3A_56 = tpu.vector_load %arg8[%swap3A_54, %swap3A_55] {strides = array<i32>} : memref<128x128xf32, #tpu.memory_space<vmem>>, vector<1x16xf32>,
      %swap3A_57 = vector.shape_cast %swap3A_56 : vector<1x16xf32> to vector<16xf32>
      %swap3A_58 = vector.shape_cast %broadcast_in_dim3A_1 : vector<16xf32> to vector<1x16xf32>
      tpu.vector_store %arg8[%swap3A_54, %swap3A_55], %swap3A_58 {strides = array<i32>} : memref<128x128xf32, #tpu.memory_space<vmem>>, vector<1x16xf32>,
      %swap3A_59 = arith.index_cast %scan3A_44 : i32 to index
      %swap3A_60 = arith.constant 48 : index
      %swap3A_61 = tpu.vector_load %arg8[%swap3A_59, %swap3A_60] {strides = array<i32>} : memref<128x128xf32, #tpu.memory_space<vmem>>, vector<1x16xf32>,
      %swap3A_62 = vector.shape_cast %swap3A_61 : vector<1x16xf32> to vector<16xf32>
      %swap3A_63 = vector.shape_cast %broadcast_in_dim3A_1 : vector<16xf32> to vector<1x16xf32>
      tpu.vector_store %arg8[%swap3A_59, %swap3A_60], %swap3A_63 {strides = array<i32>} : memref<128x128xf32, #tpu.memory_space<vmem>>, vector<1x16xf32>,
      %swap3A_64 = arith.index_cast %scan3A_44 : i32 to index
      %swap3A_65 = arith.constant 64 : index
      %swap3A_66 = tpu.vector_load %arg8[%swap3A_64, %swap3A_65] {strides = array<i32>} : memref<128x128xf32, #tpu.memory_space<vmem>>, vector<1x16xf32>,
      %swap3A_67 = vector.shape_cast %swap3A_66 : vector<1x16xf32> to vector<16xf32>
      %swap3A_68 = vector.shape_cast %broadcast_in_dim3A_1 : vector<16xf32> to vector<1x16xf32>
      tpu.vector_store %arg8[%swap3A_64, %swap3A_65], %swap3A_68 {strides = array<i32>} : memref<128x128xf32, #tpu.memory_space<vmem>>, vector<1x16xf32>,
      %swap3A_69 = arith.index_cast %scan3A_44 : i32 to index
      %swap3A_70 = arith.constant 80 : index
      %swap3A_71 = tpu.vector_load %arg8[%swap3A_69, %swap3A_70] {strides = array<i32>} : memref<128x128xf32, #tpu.memory_space<vmem>>, vector<1x16xf32>,
      %swap3A_72 = vector.shape_cast %swap3A_71 : vector<1x16xf32> to vector<16xf32>
      %swap3A_73 = vector.shape_cast %broadcast_in_dim3A_1 : vector<16xf32> to vector<1x16xf32>
      tpu.vector_store %arg8[%swap3A_69, %swap3A_70], %swap3A_73 {strides = array<i32>} : memref<128x128xf32, #tpu.memory_space<vmem>>, vector<1x16xf32>,
      %swap3A_74 = arith.index_cast %scan3A_44 : i32 to index
      %swap3A_75 = arith.constant 96 : index
      %swap3A_76 = tpu.vector_load %arg8[%swap3A_74, %swap3A_75] {strides = array<i32>} : memref<128x128xf32, #tpu.memory_space<vmem>>, vector<1x16xf32>,
      %swap3A_77 = vector.shape_cast %swap3A_76 : vector<1x16xf32> to vector<16xf32>
      %swap3A_78 = vector.shape_cast %broadcast_in_dim3A_1 : vector<16xf32> to vector<1x16xf32>
      tpu.vector_store %arg8[%swap3A_74, %swap3A_75], %swap3A_78 {strides = array<i32>} : memref<128x128xf32, #tpu.memory_space<vmem>>, vector<1x16xf32>,
      %swap3A_79 = arith.index_cast %scan3A_44 : i32 to index
      %swap3A_80 = arith.constant 112 : index
      %swap3A_81 = tpu.vector_load %arg8[%swap3A_79, %swap3A_80] {strides = array<i32>} : memref<128x128xf32, #tpu.memory_space<vmem>>, vector<1x16xf32>,
      %swap3A_82 = vector.shape_cast %swap3A_81 : vector<1x16xf32> to vector<16xf32>
      %swap3A_83 = vector.shape_cast %broadcast_in_dim3A_1 : vector<16xf32> to vector<1x16xf32>
      tpu.vector_store %arg8[%swap3A_79, %swap3A_80], %swap3A_83 {strides = array<i32>} : memref<128x128xf32, #tpu.memory_space<vmem>>, vector<1x16xf32>,
    }
    %scan3A_6 = arith.constant 128 : i32
    %mul3A_7 = arith.constant 632 : i32
    %mul3A_8 = arith.muli %arg1, %mul3A_7 : i32
    %add3A_9 = arith.constant 0 : i32
    %add3A_10 = arith.addi %mul3A_8, %add3A_9 : i32
    "tpu.region"() ({
      %run_scoped3A = tpu.sem_alloc : memref<!tpu.dma_semaphore, #tpu.memory_space<semaphore_mem>>
      %dma_start3A_44 = arith.constant 0 : i32
      %dma_start3A_45 = arith.constant 0 : i32
      %dma_start3A_46 = tpu.memref_slice %arg8[%dma_start3A_44, %dma_start3A_45] : memref<128x128xf32, #tpu.memory_space<vmem>> -> memref<128x128xf32, #tpu.memory_space<vmem>>
      %dma_start3A_47 = arith.constant 0 : i32
      %dma_start3A_48 = tpu.memref_slice %arg10[%add3A_10, %dma_start3A_47] : memref<10112x128xf32, #tpu.memory_space<vmem_shared>> -> memref<128x128xf32, #tpu.memory_space<vmem_shared>>
      %dma_start3A_49 = arith.constant 0 : i32
      %dma_start3A_50 = tpu.memref_slice %arg10[%add3A_10, %dma_start3A_49] : memref<10112x128xf32, #tpu.memory_space<vmem_shared>> -> memref<128x128xf32, #tpu.memory_space<vmem_shared>>
      %dma_start3A_51 = arith.constant 0 : i32
      %dma_start3A_52 = arith.constant 0 : i32
      %dma_start3A_53 = tpu.memref_slice %arg8[%dma_start3A_51, %dma_start3A_52] : memref<128x128xf32, #tpu.memory_space<vmem>> -> memref<128x128xf32, #tpu.memory_space<vmem>>
      tpu.enqueue_dma source(%dma_start3A_53 : memref<128x128xf32, #tpu.memory_space<vmem>>) target(%dma_start3A_50 : memref<128x128xf32, #tpu.memory_space<vmem_shared>>) target_semaphore(%run_scoped3A : memref<!tpu.dma_semaphore, #tpu.memory_space<semaphore_mem>>)
      %dma_wait3A = arith.constant 0 : i32
      %dma_wait3A_54 = arith.constant 0 : i32
      %dma_wait3A_55 = tpu.memref_slice %arg8[%dma_wait3A, %dma_wait3A_54] : memref<128x128xf32, #tpu.memory_space<vmem>> -> memref<128x128xf32, #tpu.memory_space<vmem>>
      %dma_wait3A_56 = arith.constant 0 : i32
      %dma_wait3A_57 = tpu.memref_slice %arg10[%add3A_10, %dma_wait3A_56] : memref<10112x128xf32, #tpu.memory_space<vmem_shared>> -> memref<128x128xf32, #tpu.memory_space<vmem_shared>>
      %dma_wait3A_58 = arith.constant 0 : i32
      %dma_wait3A_59 = tpu.memref_slice %arg10[%add3A_10, %dma_wait3A_58] : memref<10112x128xf32, #tpu.memory_space<vmem_shared>> -> memref<128x128xf32, #tpu.memory_space<vmem_shared>>
      %dma_wait3A_60 = arith.constant 0 : i32
      %dma_wait3A_61 = arith.constant 0 : i32
      %dma_wait3A_62 = tpu.memref_slice %arg8[%dma_wait3A_60, %dma_wait3A_61] : memref<128x128xf32, #tpu.memory_space<vmem>> -> memref<128x128xf32, #tpu.memory_space<vmem>>
      tpu.wait_dma2 semaphore(%run_scoped3A : memref<!tpu.dma_semaphore, #tpu.memory_space<semaphore_mem>>) src(%dma_wait3A_62 : memref<128x128xf32, #tpu.memory_space<vmem>>) dst(%dma_wait3A_59 : memref<128x128xf32, #tpu.memory_space<vmem_shared>>)
      tpu.yield
    }) : () -> ()
    %mul3A_11 = arith.constant 632 : i32
    %mul3A_12 = arith.muli %arg1, %mul3A_11 : i32
    %add3A_13 = arith.constant 128 : i32
    %add3A_14 = arith.addi %mul3A_12, %add3A_13 : i32
    "tpu.region"() ({
      %run_scoped3A = tpu.sem_alloc : memref<!tpu.dma_semaphore, #tpu.memory_space<semaphore_mem>>
      %dma_start3A_44 = arith.constant 0 : i32
      %dma_start3A_45 = arith.constant 0 : i32
      %dma_start3A_46 = tpu.memref_slice %arg8[%dma_start3A_44, %dma_start3A_45] : memref<128x128xf32, #tpu.memory_space<vmem>> -> memref<128x128xf32, #tpu.memory_space<vmem>>
      %dma_start3A_47 = arith.constant 0 : i32
      %dma_start3A_48 = tpu.memref_slice %arg10[%add3A_14, %dma_start3A_47] : memref<10112x128xf32, #tpu.memory_space<vmem_shared>> -> memref<128x128xf32, #tpu.memory_space<vmem_shared>>
      %dma_start3A_49 = arith.constant 0 : i32
      %dma_start3A_50 = tpu.memref_slice %arg10[%add3A_14, %dma_start3A_49] : memref<10112x128xf32, #tpu.memory_space<vmem_shared>> -> memref<128x128xf32, #tpu.memory_space<vmem_shared>>
      %dma_start3A_51 = arith.constant 0 : i32
      %dma_start3A_52 = arith.constant 0 : i32
      %dma_start3A_53 = tpu.memref_slice %arg8[%dma_start3A_51, %dma_start3A_52] : memref<128x128xf32, #tpu.memory_space<vmem>> -> memref<128x128xf32, #tpu.memory_space<vmem>>
      tpu.enqueue_dma source(%dma_start3A_53 : memref<128x128xf32, #tpu.memory_space<vmem>>) target(%dma_start3A_50 : memref<128x128xf32, #tpu.memory_space<vmem_shared>>) target_semaphore(%run_scoped3A : memref<!tpu.dma_semaphore, #tpu.memory_space<semaphore_mem>>)
      %dma_wait3A = arith.constant 0 : i32
      %dma_wait3A_54 = arith.constant 0 : i32
      %dma_wait3A_55 = tpu.memref_slice %arg8[%dma_wait3A, %dma_wait3A_54] : memref<128x128xf32, #tpu.memory_space<vmem>> -> memref<128x128xf32, #tpu.memory_space<vmem>>
      %dma_wait3A_56 = arith.constant 0 : i32
      %dma_wait3A_57 = tpu.memref_slice %arg10[%add3A_14, %dma_wait3A_56] : memref<10112x128xf32, #tpu.memory_space<vmem_shared>> -> memref<128x128xf32, #tpu.memory_space<vmem_shared>>
      %dma_wait3A_58 = arith.constant 0 : i32
      %dma_wait3A_59 = tpu.memref_slice %arg10[%add3A_14, %dma_wait3A_58] : memref<10112x128xf32, #tpu.memory_space<vmem_shared>> -> memref<128x128xf32, #tpu.memory_space<vmem_shared>>
      %dma_wait3A_60 = arith.constant 0 : i32
      %dma_wait3A_61 = arith.constant 0 : i32
      %dma_wait3A_62 = tpu.memref_slice %arg8[%dma_wait3A_60, %dma_wait3A_61] : memref<128x128xf32, #tpu.memory_space<vmem>> -> memref<128x128xf32, #tpu.memory_space<vmem>>
      tpu.wait_dma2 semaphore(%run_scoped3A : memref<!tpu.dma_semaphore, #tpu.memory_space<semaphore_mem>>) src(%dma_wait3A_62 : memref<128x128xf32, #tpu.memory_space<vmem>>) dst(%dma_wait3A_59 : memref<128x128xf32, #tpu.memory_space<vmem_shared>>)
      tpu.yield
    }) : () -> ()
    %mul3A_15 = arith.constant 632 : i32
    %mul3A_16 = arith.muli %arg1, %mul3A_15 : i32
    %add3A_17 = arith.constant 256 : i32
    %add3A_18 = arith.addi %mul3A_16, %add3A_17 : i32
    "tpu.region"() ({
      %run_scoped3A = tpu.sem_alloc : memref<!tpu.dma_semaphore, #tpu.memory_space<semaphore_mem>>
      %dma_start3A_44 = arith.constant 0 : i32
      %dma_start3A_45 = arith.constant 0 : i32
      %dma_start3A_46 = tpu.memref_slice %arg8[%dma_start3A_44, %dma_start3A_45] : memref<128x128xf32, #tpu.memory_space<vmem>> -> memref<128x128xf32, #tpu.memory_space<vmem>>
      %dma_start3A_47 = arith.constant 0 : i32
      %dma_start3A_48 = tpu.memref_slice %arg10[%add3A_18, %dma_start3A_47] : memref<10112x128xf32, #tpu.memory_space<vmem_shared>> -> memref<128x128xf32, #tpu.memory_space<vmem_shared>>
      %dma_start3A_49 = arith.constant 0 : i32
      %dma_start3A_50 = tpu.memref_slice %arg10[%add3A_18, %dma_start3A_49] : memref<10112x128xf32, #tpu.memory_space<vmem_shared>> -> memref<128x128xf32, #tpu.memory_space<vmem_shared>>
      %dma_start3A_51 = arith.constant 0 : i32
      %dma_start3A_52 = arith.constant 0 : i32
      %dma_start3A_53 = tpu.memref_slice %arg8[%dma_start3A_51, %dma_start3A_52] : memref<128x128xf32, #tpu.memory_space<vmem>> -> memref<128x128xf32, #tpu.memory_space<vmem>>
      tpu.enqueue_dma source(%dma_start3A_53 : memref<128x128xf32, #tpu.memory_space<vmem>>) target(%dma_start3A_50 : memref<128x128xf32, #tpu.memory_space<vmem_shared>>) target_semaphore(%run_scoped3A : memref<!tpu.dma_semaphore, #tpu.memory_space<semaphore_mem>>)
      %dma_wait3A = arith.constant 0 : i32
      %dma_wait3A_54 = arith.constant 0 : i32
      %dma_wait3A_55 = tpu.memref_slice %arg8[%dma_wait3A, %dma_wait3A_54] : memref<128x128xf32, #tpu.memory_space<vmem>> -> memref<128x128xf32, #tpu.memory_space<vmem>>
      %dma_wait3A_56 = arith.constant 0 : i32
      %dma_wait3A_57 = tpu.memref_slice %arg10[%add3A_18, %dma_wait3A_56] : memref<10112x128xf32, #tpu.memory_space<vmem_shared>> -> memref<128x128xf32, #tpu.memory_space<vmem_shared>>
      %dma_wait3A_58 = arith.constant 0 : i32
      %dma_wait3A_59 = tpu.memref_slice %arg10[%add3A_18, %dma_wait3A_58] : memref<10112x128xf32, #tpu.memory_space<vmem_shared>> -> memref<128x128xf32, #tpu.memory_space<vmem_shared>>
      %dma_wait3A_60 = arith.constant 0 : i32
      %dma_wait3A_61 = arith.constant 0 : i32
      %dma_wait3A_62 = tpu.memref_slice %arg8[%dma_wait3A_60, %dma_wait3A_61] : memref<128x128xf32, #tpu.memory_space<vmem>> -> memref<128x128xf32, #tpu.memory_space<vmem>>
      tpu.wait_dma2 semaphore(%run_scoped3A : memref<!tpu.dma_semaphore, #tpu.memory_space<semaphore_mem>>) src(%dma_wait3A_62 : memref<128x128xf32, #tpu.memory_space<vmem>>) dst(%dma_wait3A_59 : memref<128x128xf32, #tpu.memory_space<vmem_shared>>)
      tpu.yield
    }) : () -> ()
    %mul3A_19 = arith.constant 632 : i32
    %mul3A_20 = arith.muli %arg1, %mul3A_19 : i32
    %add3A_21 = arith.constant 384 : i32
    %add3A_22 = arith.addi %mul3A_20, %add3A_21 : i32
    "tpu.region"() ({
      %run_scoped3A = tpu.sem_alloc : memref<!tpu.dma_semaphore, #tpu.memory_space<semaphore_mem>>
      %dma_start3A_44 = arith.constant 0 : i32
      %dma_start3A_45 = arith.constant 0 : i32
      %dma_start3A_46 = tpu.memref_slice %arg8[%dma_start3A_44, %dma_start3A_45] : memref<128x128xf32, #tpu.memory_space<vmem>> -> memref<128x128xf32, #tpu.memory_space<vmem>>
      %dma_start3A_47 = arith.constant 0 : i32
      %dma_start3A_48 = tpu.memref_slice %arg10[%add3A_22, %dma_start3A_47] : memref<10112x128xf32, #tpu.memory_space<vmem_shared>> -> memref<128x128xf32, #tpu.memory_space<vmem_shared>>
      %dma_start3A_49 = arith.constant 0 : i32
      %dma_start3A_50 = tpu.memref_slice %arg10[%add3A_22, %dma_start3A_49] : memref<10112x128xf32, #tpu.memory_space<vmem_shared>> -> memref<128x128xf32, #tpu.memory_space<vmem_shared>>
      %dma_start3A_51 = arith.constant 0 : i32
      %dma_start3A_52 = arith.constant 0 : i32
      %dma_start3A_53 = tpu.memref_slice %arg8[%dma_start3A_51, %dma_start3A_52] : memref<128x128xf32, #tpu.memory_space<vmem>> -> memref<128x128xf32, #tpu.memory_space<vmem>>
      tpu.enqueue_dma source(%dma_start3A_53 : memref<128x128xf32, #tpu.memory_space<vmem>>) target(%dma_start3A_50 : memref<128x128xf32, #tpu.memory_space<vmem_shared>>) target_semaphore(%run_scoped3A : memref<!tpu.dma_semaphore, #tpu.memory_space<semaphore_mem>>)
      %dma_wait3A = arith.constant 0 : i32
      %dma_wait3A_54 = arith.constant 0 : i32
      %dma_wait3A_55 = tpu.memref_slice %arg8[%dma_wait3A, %dma_wait3A_54] : memref<128x128xf32, #tpu.memory_space<vmem>> -> memref<128x128xf32, #tpu.memory_space<vmem>>
      %dma_wait3A_56 = arith.constant 0 : i32
      %dma_wait3A_57 = tpu.memref_slice %arg10[%add3A_22, %dma_wait3A_56] : memref<10112x128xf32, #tpu.memory_space<vmem_shared>> -> memref<128x128xf32, #tpu.memory_space<vmem_shared>>
      %dma_wait3A_58 = arith.constant 0 : i32
      %dma_wait3A_59 = tpu.memref_slice %arg10[%add3A_22, %dma_wait3A_58] : memref<10112x128xf32, #tpu.memory_space<vmem_shared>> -> memref<128x128xf32, #tpu.memory_space<vmem_shared>>
      %dma_wait3A_60 = arith.constant 0 : i32
      %dma_wait3A_61 = arith.constant 0 : i32
      %dma_wait3A_62 = tpu.memref_slice %arg8[%dma_wait3A_60, %dma_wait3A_61] : memref<128x128xf32, #tpu.memory_space<vmem>> -> memref<128x128xf32, #tpu.memory_space<vmem>>
      tpu.wait_dma2 semaphore(%run_scoped3A : memref<!tpu.dma_semaphore, #tpu.memory_space<semaphore_mem>>) src(%dma_wait3A_62 : memref<128x128xf32, #tpu.memory_space<vmem>>) dst(%dma_wait3A_59 : memref<128x128xf32, #tpu.memory_space<vmem_shared>>)
      tpu.yield
    }) : () -> ()
    %mul3A_23 = arith.constant 632 : i32
    %mul3A_24 = arith.muli %arg1, %mul3A_23 : i32
    %add3A_25 = arith.constant 512 : i32
    %add3A_26 = arith.addi %mul3A_24, %add3A_25 : i32
    "tpu.region"() ({
      %run_scoped3A = tpu.sem_alloc : memref<!tpu.dma_semaphore, #tpu.memory_space<semaphore_mem>>
      %dma_start3A_44 = arith.constant 0 : i32
      %dma_start3A_45 = arith.constant 0 : i32
      %dma_start3A_46 = tpu.memref_slice %arg8[%dma_start3A_44, %dma_start3A_45] : memref<128x128xf32, #tpu.memory_space<vmem>> -> memref<120x128xf32, #tpu.memory_space<vmem>>
      %dma_start3A_47 = arith.constant 0 : i32
      %dma_start3A_48 = tpu.memref_slice %arg10[%add3A_26, %dma_start3A_47] : memref<10112x128xf32, #tpu.memory_space<vmem_shared>> -> memref<120x128xf32, #tpu.memory_space<vmem_shared>>
      %dma_start3A_49 = arith.constant 0 : i32
      %dma_start3A_50 = tpu.memref_slice %arg10[%add3A_26, %dma_start3A_49] : memref<10112x128xf32, #tpu.memory_space<vmem_shared>> -> memref<120x128xf32, #tpu.memory_space<vmem_shared>>
      %dma_start3A_51 = arith.constant 0 : i32
      %dma_start3A_52 = arith.constant 0 : i32
      %dma_start3A_53 = tpu.memref_slice %arg8[%dma_start3A_51, %dma_start3A_52] : memref<128x128xf32, #tpu.memory_space<vmem>> -> memref<120x128xf32, #tpu.memory_space<vmem>>
      tpu.enqueue_dma source(%dma_start3A_53 : memref<120x128xf32, #tpu.memory_space<vmem>>) target(%dma_start3A_50 : memref<120x128xf32, #tpu.memory_space<vmem_shared>>) target_semaphore(%run_scoped3A : memref<!tpu.dma_semaphore, #tpu.memory_space<semaphore_mem>>)
      %dma_wait3A = arith.constant 0 : i32
      %dma_wait3A_54 = arith.constant 0 : i32
      %dma_wait3A_55 = tpu.memref_slice %arg8[%dma_wait3A, %dma_wait3A_54] : memref<128x128xf32, #tpu.memory_space<vmem>> -> memref<120x128xf32, #tpu.memory_space<vmem>>
      %dma_wait3A_56 = arith.constant 0 : i32
      %dma_wait3A_57 = tpu.memref_slice %arg10[%add3A_26, %dma_wait3A_56] : memref<10112x128xf32, #tpu.memory_space<vmem_shared>> -> memref<120x128xf32, #tpu.memory_space<vmem_shared>>
      %dma_wait3A_58 = arith.constant 0 : i32
      %dma_wait3A_59 = tpu.memref_slice %arg10[%add3A_26, %dma_wait3A_58] : memref<10112x128xf32, #tpu.memory_space<vmem_shared>> -> memref<120x128xf32, #tpu.memory_space<vmem_shared>>
      %dma_wait3A_60 = arith.constant 0 : i32
      %dma_wait3A_61 = arith.constant 0 : i32
      %dma_wait3A_62 = tpu.memref_slice %arg8[%dma_wait3A_60, %dma_wait3A_61] : memref<128x128xf32, #tpu.memory_space<vmem>> -> memref<120x128xf32, #tpu.memory_space<vmem>>
      tpu.wait_dma2 semaphore(%run_scoped3A : memref<!tpu.dma_semaphore, #tpu.memory_space<semaphore_mem>>) src(%dma_wait3A_62 : memref<120x128xf32, #tpu.memory_space<vmem>>) dst(%dma_wait3A_59 : memref<120x128xf32, #tpu.memory_space<vmem_shared>>)
      tpu.yield
    }) : () -> ()
    "tpu.region"() ({
      %run_scoped3A = tpu.sem_alloc : memref<!tpu.dma_semaphore, #tpu.memory_space<semaphore_mem>>
      %dma_start3A_44 = arith.constant 0 : i32
      %dma_start3A_45 = arith.constant 0 : i32
      %dma_start3A_46 = tpu.memref_slice %arg3[%add3A, %dma_start3A_44, %dma_start3A_45] : memref<32x48x128xi32, #tpu.memory_space<hbm>> -> memref<1x48x128xi32, #tpu.memory_space<hbm>>
      %dma_start3A_47 = tpu.memref_squeeze %dma_start3A_46 : memref<1x48x128xi32, #tpu.memory_space<hbm>> -> memref<48x128xi32, #tpu.memory_space<hbm>>
      %dma_start3A_48 = arith.constant 0 : i32
      %dma_start3A_49 = arith.constant 0 : i32
      %dma_start3A_50 = tpu.memref_slice %arg3[%add3A, %dma_start3A_48, %dma_start3A_49] : memref<32x48x128xi32, #tpu.memory_space<hbm>> -> memref<1x48x128xi32, #tpu.memory_space<hbm>>
      %dma_start3A_51 = tpu.memref_squeeze %dma_start3A_50 : memref<1x48x128xi32, #tpu.memory_space<hbm>> -> memref<48x128xi32, #tpu.memory_space<hbm>>
      tpu.enqueue_dma source(%dma_start3A_51 : memref<48x128xi32, #tpu.memory_space<hbm>>) target(%arg6 : memref<48x128xi32, #tpu.memory_space<vmem>>) target_semaphore(%run_scoped3A : memref<!tpu.dma_semaphore, #tpu.memory_space<semaphore_mem>>)
      %dma_wait3A = arith.constant 0 : i32
      %dma_wait3A_52 = arith.constant 0 : i32
      %dma_wait3A_53 = tpu.memref_slice %arg3[%add3A, %dma_wait3A, %dma_wait3A_52] : memref<32x48x128xi32, #tpu.memory_space<hbm>> -> memref<1x48x128xi32, #tpu.memory_space<hbm>>
      %dma_wait3A_54 = tpu.memref_squeeze %dma_wait3A_53 : memref<1x48x128xi32, #tpu.memory_space<hbm>> -> memref<48x128xi32, #tpu.memory_space<hbm>>
      %dma_wait3A_55 = arith.constant 0 : i32
      %dma_wait3A_56 = arith.constant 0 : i32
      %dma_wait3A_57 = tpu.memref_slice %arg3[%add3A, %dma_wait3A_55, %dma_wait3A_56] : memref<32x48x128xi32, #tpu.memory_space<hbm>> -> memref<1x48x128xi32, #tpu.memory_space<hbm>>
      %dma_wait3A_58 = tpu.memref_squeeze %dma_wait3A_57 : memref<1x48x128xi32, #tpu.memory_space<hbm>> -> memref<48x128xi32, #tpu.memory_space<hbm>>
      tpu.wait_dma2 semaphore(%run_scoped3A : memref<!tpu.dma_semaphore, #tpu.memory_space<semaphore_mem>>) src(%dma_wait3A_58 : memref<48x128xi32, #tpu.memory_space<hbm>>) dst(%arg6 : memref<48x128xi32, #tpu.memory_space<vmem>>)
      tpu.yield
    }) : () -> ()
    "tpu.region"() ({
      %run_scoped3A = tpu.sem_alloc : memref<!tpu.dma_semaphore, #tpu.memory_space<semaphore_mem>>
      %dma_start3A_44 = arith.constant 0 : i32
      %dma_start3A_45 = arith.constant 0 : i32
      %dma_start3A_46 = tpu.memref_slice %arg4[%add3A, %dma_start3A_44, %dma_start3A_45] : memref<32x48x128xi32, #tpu.memory_space<hbm>> -> memref<1x48x128xi32, #tpu.memory_space<hbm>>
      %dma_start3A_47 = tpu.memref_squeeze %dma_start3A_46 : memref<1x48x128xi32, #tpu.memory_space<hbm>> -> memref<48x128xi32, #tpu.memory_space<hbm>>
      %dma_start3A_48 = arith.constant 0 : i32
      %dma_start3A_49 = arith.constant 0 : i32
      %dma_start3A_50 = tpu.memref_slice %arg4[%add3A, %dma_start3A_48, %dma_start3A_49] : memref<32x48x128xi32, #tpu.memory_space<hbm>> -> memref<1x48x128xi32, #tpu.memory_space<hbm>>
      %dma_start3A_51 = tpu.memref_squeeze %dma_start3A_50 : memref<1x48x128xi32, #tpu.memory_space<hbm>> -> memref<48x128xi32, #tpu.memory_space<hbm>>
      tpu.enqueue_dma source(%dma_start3A_51 : memref<48x128xi32, #tpu.memory_space<hbm>>) target(%arg7 : memref<48x128xi32, #tpu.memory_space<vmem>>) target_semaphore(%run_scoped3A : memref<!tpu.dma_semaphore, #tpu.memory_space<semaphore_mem>>)
      %dma_wait3A = arith.constant 0 : i32
      %dma_wait3A_52 = arith.constant 0 : i32
      %dma_wait3A_53 = tpu.memref_slice %arg4[%add3A, %dma_wait3A, %dma_wait3A_52] : memref<32x48x128xi32, #tpu.memory_space<hbm>> -> memref<1x48x128xi32, #tpu.memory_space<hbm>>
      %dma_wait3A_54 = tpu.memref_squeeze %dma_wait3A_53 : memref<1x48x128xi32, #tpu.memory_space<hbm>> -> memref<48x128xi32, #tpu.memory_space<hbm>>
      %dma_wait3A_55 = arith.constant 0 : i32
      %dma_wait3A_56 = arith.constant 0 : i32
      %dma_wait3A_57 = tpu.memref_slice %arg4[%add3A, %dma_wait3A_55, %dma_wait3A_56] : memref<32x48x128xi32, #tpu.memory_space<hbm>> -> memref<1x48x128xi32, #tpu.memory_space<hbm>>
      %dma_wait3A_58 = tpu.memref_squeeze %dma_wait3A_57 : memref<1x48x128xi32, #tpu.memory_space<hbm>> -> memref<48x128xi32, #tpu.memory_space<hbm>>
      tpu.wait_dma2 semaphore(%run_scoped3A : memref<!tpu.dma_semaphore, #tpu.memory_space<semaphore_mem>>) src(%dma_wait3A_58 : memref<48x128xi32, #tpu.memory_space<hbm>>) dst(%arg7 : memref<48x128xi32, #tpu.memory_space<vmem>>)
      tpu.yield
    }) : () -> ()
    %barrier3A = arith.constant 0 : index
    tpu.barrier barrier_id(%barrier3A)
    %dma_start3A = arith.constant 0 : i32
    %dma_start3A_27 = arith.constant 0 : i32
    %dma_start3A_28 = tpu.memref_slice %arg6[%dma_start3A, %dma_start3A_27] : memref<48x128xi32, #tpu.memory_space<vmem>> -> memref<1x128xi32, #tpu.memory_space<vmem>>
    %dma_start3A_29 = tpu.memref_squeeze %dma_start3A_28 : memref<1x128xi32, #tpu.memory_space<vmem>> -> memref<128xi32, #tpu.memory_space<vmem>>
    %dma_start3A_30 = arith.constant 0 : i32
    %dma_start3A_31 = arith.constant 0 : i32
    %dma_start3A_32 = tpu.memref_slice %arg2[%dma_start3A_30, %dma_start3A_31] : memref<160000x128xf32, #tpu.memory_space<hbm>> -> memref<160000x128xf32, #tpu.memory_space<hbm>>
    tpu.enqueue_indirect_dma source(%dma_start3A_32 : memref<160000x128xf32, #tpu.memory_space<hbm>>) target(%arg8 : memref<128x128xf32, #tpu.memory_space<vmem>>) offsets(%dma_start3A_29 : memref<128xi32, #tpu.memory_space<vmem>>) semaphore(%arg11 : memref<!tpu.dma_semaphore, #tpu.memory_space<semaphore_mem>>)
    %scan3A_33 = arith.constant 0 : i32
    %scan3A_34 = arith.constant 0 : i32
    %scan3A_35 = arith.constant 24 : i32
    %scan3A_36 = arith.addi %scan3A_34, %scan3A_35 : i32
    %scan3A_37 = arith.constant 1 : i32
    scf.for %scan3A_44 = %scan3A_34 to %scan3A_36 step %scan3A_37  : i32 {
      %mul3A_45 = arith.constant 2 : i32
      %mul3A_46 = arith.muli %mul3A_45, %scan3A_44 : i32
      %add3A_47 = arith.constant 1 : i32
      %add3A_48 = arith.addi %mul3A_46, %add3A_47 : i32
      %dma_start3A_49 = arith.constant 0 : i32
      %dma_start3A_50 = tpu.memref_slice %arg6[%add3A_48, %dma_start3A_49] : memref<48x128xi32, #tpu.memory_space<vmem>> -> memref<1x128xi32, #tpu.memory_space<vmem>>
      %dma_start3A_51 = tpu.memref_squeeze %dma_start3A_50 : memref<1x128xi32, #tpu.memory_space<vmem>> -> memref<128xi32, #tpu.memory_space<vmem>>
      %dma_start3A_52 = arith.constant 0 : i32
      %dma_start3A_53 = arith.constant 0 : i32
      %dma_start3A_54 = tpu.memref_slice %arg2[%dma_start3A_52, %dma_start3A_53] : memref<160000x128xf32, #tpu.memory_space<hbm>> -> memref<160000x128xf32, #tpu.memory_space<hbm>>
      tpu.enqueue_indirect_dma source(%dma_start3A_54 : memref<160000x128xf32, #tpu.memory_space<hbm>>) target(%arg9 : memref<128x128xf32, #tpu.memory_space<vmem>>) offsets(%dma_start3A_51 : memref<128xi32, #tpu.memory_space<vmem>>) semaphore(%arg12 : memref<!tpu.dma_semaphore, #tpu.memory_space<semaphore_mem>>)
      %dma_wait3A = arith.constant 0 : i32
      %dma_wait3A_55 = tpu.memref_slice %arg6[%mul3A_46, %dma_wait3A] : memref<48x128xi32, #tpu.memory_space<vmem>> -> memref<1x128xi32, #tpu.memory_space<vmem>>
      %dma_wait3A_56 = tpu.memref_squeeze %dma_wait3A_55 : memref<1x128xi32, #tpu.memory_space<vmem>> -> memref<128xi32, #tpu.memory_space<vmem>>
      %dma_wait3A_57 = arith.constant 0 : i32
      %dma_wait3A_58 = arith.constant 0 : i32
      %dma_wait3A_59 = tpu.memref_slice %arg2[%dma_wait3A_57, %dma_wait3A_58] : memref<160000x128xf32, #tpu.memory_space<hbm>> -> memref<160000x128xf32, #tpu.memory_space<hbm>>
      tpu.wait_indirect_dma semaphore(%arg11 : memref<!tpu.dma_semaphore, #tpu.memory_space<semaphore_mem>>) src(%dma_wait3A_59 : memref<160000x128xf32, #tpu.memory_space<hbm>>) dst(%arg8 : memref<128x128xf32, #tpu.memory_space<vmem>>)
      "tpu.region"() ({
        %run_scoped3A = tpu.sem_alloc : memref<!tpu.dma_semaphore, #tpu.memory_space<semaphore_mem>>
        %dma_start3A_74 = arith.constant 0 : i32
        %dma_start3A_75 = tpu.memref_slice %arg7[%mul3A_46, %dma_start3A_74] : memref<48x128xi32, #tpu.memory_space<vmem>> -> memref<1x128xi32, #tpu.memory_space<vmem>>
        %dma_start3A_76 = tpu.memref_squeeze %dma_start3A_75 : memref<1x128xi32, #tpu.memory_space<vmem>> -> memref<128xi32, #tpu.memory_space<vmem>>
        %dma_start3A_77 = arith.constant 0 : i32
        %dma_start3A_78 = arith.constant 0 : i32
        %dma_start3A_79 = tpu.memref_slice %arg10[%dma_start3A_77, %dma_start3A_78] : memref<10112x128xf32, #tpu.memory_space<vmem_shared>> -> memref<10112x128xf32, #tpu.memory_space<vmem_shared>>
        tpu.enqueue_indirect_dma source(%arg8 : memref<128x128xf32, #tpu.memory_space<vmem>>) target(%dma_start3A_79 : memref<10112x128xf32, #tpu.memory_space<vmem_shared>>) offsets(%dma_start3A_76 : memref<128xi32, #tpu.memory_space<vmem>>) semaphore(%run_scoped3A : memref<!tpu.dma_semaphore, #tpu.memory_space<semaphore_mem>>) {add = true}
        %dma_wait3A_80 = arith.constant 0 : i32
        %dma_wait3A_81 = tpu.memref_slice %arg7[%mul3A_46, %dma_wait3A_80] : memref<48x128xi32, #tpu.memory_space<vmem>> -> memref<1x128xi32, #tpu.memory_space<vmem>>
        %dma_wait3A_82 = tpu.memref_squeeze %dma_wait3A_81 : memref<1x128xi32, #tpu.memory_space<vmem>> -> memref<128xi32, #tpu.memory_space<vmem>>
        %dma_wait3A_83 = arith.constant 0 : i32
        %dma_wait3A_84 = arith.constant 0 : i32
        %dma_wait3A_85 = tpu.memref_slice %arg10[%dma_wait3A_83, %dma_wait3A_84] : memref<10112x128xf32, #tpu.memory_space<vmem_shared>> -> memref<10112x128xf32, #tpu.memory_space<vmem_shared>>
        tpu.wait_indirect_dma semaphore(%run_scoped3A : memref<!tpu.dma_semaphore, #tpu.memory_space<semaphore_mem>>) src(%arg8 : memref<128x128xf32, #tpu.memory_space<vmem>>) dst(%dma_wait3A_85 : memref<10112x128xf32, #tpu.memory_space<vmem_shared>>)
        tpu.yield
      }) : () -> ()
      %add3A_60 = arith.constant 2 : i32
      %add3A_61 = arith.addi %mul3A_46, %add3A_60 : i32
      %lt3A = arith.constant 48 : i32
      %lt3A_62 = arith.cmpi slt, %add3A_61, %lt3A : i32
      %convert_element_type3A = arith.extui %lt3A_62 : i1 to i32
      %cond3A = arith.constant 0 : i32
      %cond3A_63 = arith.cmpi ne, %convert_element_type3A, %cond3A : i32
      scf.if %cond3A_63 {
        %add3A_74 = arith.constant 2 : i32
        %add3A_75 = arith.addi %mul3A_46, %add3A_74 : i32
        %dma_start3A_76 = arith.constant 0 : i32
        %dma_start3A_77 = tpu.memref_slice %arg6[%add3A_75, %dma_start3A_76] : memref<48x128xi32, #tpu.memory_space<vmem>> -> memref<1x128xi32, #tpu.memory_space<vmem>>
        %dma_start3A_78 = tpu.memref_squeeze %dma_start3A_77 : memref<1x128xi32, #tpu.memory_space<vmem>> -> memref<128xi32, #tpu.memory_space<vmem>>
        %dma_start3A_79 = arith.constant 0 : i32
        %dma_start3A_80 = arith.constant 0 : i32
        %dma_start3A_81 = tpu.memref_slice %arg2[%dma_start3A_79, %dma_start3A_80] : memref<160000x128xf32, #tpu.memory_space<hbm>> -> memref<160000x128xf32, #tpu.memory_space<hbm>>
        tpu.enqueue_indirect_dma source(%dma_start3A_81 : memref<160000x128xf32, #tpu.memory_space<hbm>>) target(%arg8 : memref<128x128xf32, #tpu.memory_space<vmem>>) offsets(%dma_start3A_78 : memref<128xi32, #tpu.memory_space<vmem>>) semaphore(%arg11 : memref<!tpu.dma_semaphore, #tpu.memory_space<semaphore_mem>>)
      } else {
      }
      %add3A_64 = arith.constant 1 : i32
      %add3A_65 = arith.addi %mul3A_46, %add3A_64 : i32
      %dma_wait3A_66 = arith.constant 0 : i32
      %dma_wait3A_67 = tpu.memref_slice %arg6[%add3A_65, %dma_wait3A_66] : memref<48x128xi32, #tpu.memory_space<vmem>> -> memref<1x128xi32, #tpu.memory_space<vmem>>
      %dma_wait3A_68 = tpu.memref_squeeze %dma_wait3A_67 : memref<1x128xi32, #tpu.memory_space<vmem>> -> memref<128xi32, #tpu.memory_space<vmem>>
      %dma_wait3A_69 = arith.constant 0 : i32
      %dma_wait3A_70 = arith.constant 0 : i32
      %dma_wait3A_71 = tpu.memref_slice %arg2[%dma_wait3A_69, %dma_wait3A_70] : memref<160000x128xf32, #tpu.memory_space<hbm>> -> memref<160000x128xf32, #tpu.memory_space<hbm>>
      tpu.wait_indirect_dma semaphore(%arg12 : memref<!tpu.dma_semaphore, #tpu.memory_space<semaphore_mem>>) src(%dma_wait3A_71 : memref<160000x128xf32, #tpu.memory_space<hbm>>) dst(%arg9 : memref<128x128xf32, #tpu.memory_space<vmem>>)
      %add3A_72 = arith.constant 1 : i32
      %add3A_73 = arith.addi %mul3A_46, %add3A_72 : i32
      "tpu.region"() ({
        %run_scoped3A = tpu.sem_alloc : memref<!tpu.dma_semaphore, #tpu.memory_space<semaphore_mem>>
        %dma_start3A_74 = arith.constant 0 : i32
        %dma_start3A_75 = tpu.memref_slice %arg7[%add3A_73, %dma_start3A_74] : memref<48x128xi32, #tpu.memory_space<vmem>> -> memref<1x128xi32, #tpu.memory_space<vmem>>
        %dma_start3A_76 = tpu.memref_squeeze %dma_start3A_75 : memref<1x128xi32, #tpu.memory_space<vmem>> -> memref<128xi32, #tpu.memory_space<vmem>>
        %dma_start3A_77 = arith.constant 0 : i32
        %dma_start3A_78 = arith.constant 0 : i32
        %dma_start3A_79 = tpu.memref_slice %arg10[%dma_start3A_77, %dma_start3A_78] : memref<10112x128xf32, #tpu.memory_space<vmem_shared>> -> memref<10112x128xf32, #tpu.memory_space<vmem_shared>>
        tpu.enqueue_indirect_dma source(%arg9 : memref<128x128xf32, #tpu.memory_space<vmem>>) target(%dma_start3A_79 : memref<10112x128xf32, #tpu.memory_space<vmem_shared>>) offsets(%dma_start3A_76 : memref<128xi32, #tpu.memory_space<vmem>>) semaphore(%run_scoped3A : memref<!tpu.dma_semaphore, #tpu.memory_space<semaphore_mem>>) {add = true}
        %dma_wait3A_80 = arith.constant 0 : i32
        %dma_wait3A_81 = tpu.memref_slice %arg7[%add3A_73, %dma_wait3A_80] : memref<48x128xi32, #tpu.memory_space<vmem>> -> memref<1x128xi32, #tpu.memory_space<vmem>>
        %dma_wait3A_82 = tpu.memref_squeeze %dma_wait3A_81 : memref<1x128xi32, #tpu.memory_space<vmem>> -> memref<128xi32, #tpu.memory_space<vmem>>
        %dma_wait3A_83 = arith.constant 0 : i32
        %dma_wait3A_84 = arith.constant 0 : i32
        %dma_wait3A_85 = tpu.memref_slice %arg10[%dma_wait3A_83, %dma_wait3A_84] : memref<10112x128xf32, #tpu.memory_space<vmem_shared>> -> memref<10112x128xf32, #tpu.memory_space<vmem_shared>>
        tpu.wait_indirect_dma semaphore(%run_scoped3A : memref<!tpu.dma_semaphore, #tpu.memory_space<semaphore_mem>>) src(%arg9 : memref<128x128xf32, #tpu.memory_space<vmem>>) dst(%dma_wait3A_85 : memref<10112x128xf32, #tpu.memory_space<vmem_shared>>)
        tpu.yield
      }) : () -> ()
    }
    %scan3A_38 = arith.constant 24 : i32
    %barrier3A_39 = arith.constant 0 : index
    tpu.barrier barrier_id(%barrier3A_39)
    %mul3A_40 = arith.constant 632 : i32
    %mul3A_41 = arith.muli %arg1, %mul3A_40 : i32
    %mul3A_42 = arith.constant 632 : i32
    %mul3A_43 = arith.muli %arg1, %mul3A_42 : i32
    "tpu.region"() ({
      %run_scoped3A = tpu.sem_alloc : memref<!tpu.dma_semaphore, #tpu.memory_space<semaphore_mem>>
      %dma_start3A_44 = arith.constant 0 : i32
      %dma_start3A_45 = tpu.memref_slice %arg5[%arg0, %mul3A_43, %dma_start3A_44] : memref<2x10112x128xf32, #tpu.memory_space<hbm>> -> memref<1x632x128xf32, #tpu.memory_space<hbm>>
      %dma_start3A_46 = tpu.memref_squeeze %dma_start3A_45 : memref<1x632x128xf32, #tpu.memory_space<hbm>> -> memref<632x128xf32, #tpu.memory_space<hbm>>
      %dma_start3A_47 = arith.constant 0 : i32
      %dma_start3A_48 = tpu.memref_slice %arg10[%mul3A_41, %dma_start3A_47] : memref<10112x128xf32, #tpu.memory_space<vmem_shared>> -> memref<632x128xf32, #tpu.memory_space<vmem_shared>>
      tpu.enqueue_dma source(%dma_start3A_48 : memref<632x128xf32, #tpu.memory_space<vmem_shared>>) target(%dma_start3A_46 : memref<632x128xf32, #tpu.memory_space<hbm>>) target_semaphore(%run_scoped3A : memref<!tpu.dma_semaphore, #tpu.memory_space<semaphore_mem>>)
      %dma_wait3A = arith.constant 0 : i32
      %dma_wait3A_49 = tpu.memref_slice %arg5[%arg0, %mul3A_43, %dma_wait3A] : memref<2x10112x128xf32, #tpu.memory_space<hbm>> -> memref<1x632x128xf32, #tpu.memory_space<hbm>>
      %dma_wait3A_50 = tpu.memref_squeeze %dma_wait3A_49 : memref<1x632x128xf32, #tpu.memory_space<hbm>> -> memref<632x128xf32, #tpu.memory_space<hbm>>
      %dma_wait3A_51 = arith.constant 0 : i32
      %dma_wait3A_52 = tpu.memref_slice %arg10[%mul3A_41, %dma_wait3A_51] : memref<10112x128xf32, #tpu.memory_space<vmem_shared>> -> memref<632x128xf32, #tpu.memory_space<vmem_shared>>
      tpu.wait_dma2 semaphore(%run_scoped3A : memref<!tpu.dma_semaphore, #tpu.memory_space<semaphore_mem>>) src(%dma_wait3A_52 : memref<632x128xf32, #tpu.memory_space<vmem_shared>>) dst(%dma_wait3A_50 : memref<632x128xf32, #tpu.memory_space<hbm>>)
      tpu.yield
    }) : () -> ()
    return
  }
}

#map = affine_map<(d0, d1) -> (0, 0)>
#map1 = affine_map<(d0, d1) -> (0, 0, 0)>
module attributes {stable_mosaic.version = 14 : i64} {
  func.func @sc_scatter(%arg0: i32, %arg1: i32, %arg2: memref<110000x128xf32, #tpu.memory_space<hbm>>, %arg3: memref<32x34x128xi32, #tpu.memory_space<hbm>>, %arg4: memref<32x34x128xi32, #tpu.memory_space<hbm>>, %arg5: memref<2x10112x128xf32, #tpu.memory_space<hbm>>, %arg6: memref<34x128xi32, #tpu.memory_space<vmem>>, %arg7: memref<34x128xi32, #tpu.memory_space<vmem>>, %arg8: memref<128x128xf32, #tpu.memory_space<vmem>>, %arg9: memref<128x128xf32, #tpu.memory_space<vmem>>, %arg10: memref<10112x128xf32, #tpu.memory_space<vmem_shared>>, %arg11: memref<!tpu.dma_semaphore, #tpu.memory_space<semaphore_mem>>, %arg12: memref<!tpu.dma_semaphore, #tpu.memory_space<semaphore_mem>>) attributes {dimension_semantics = [#tpu.dimension_semantics<core_parallel>, #tpu.dimension_semantics<subcore_parallel>], iteration_bounds = array<i64: 2, 16>, scalar_prefetch = 0 : i64, scratch_operands = 7 : i64, tpu.core_type = #tpu.core_type<sc_vector_subcore>, window_params = [{transform_indices = #map}, {transform_indices = #map1}, {transform_indices = #map1}, {transform_indices = #map1}]} {
    %mul3A = arith.constant 16 : i32
    %mul3A_0 = arith.muli %arg0, %mul3A : i32
    %add3A = arith.addi %mul3A_0, %arg1 : i32
    %broadcast_in_dim3A = arith.constant 0.000000e+00 : f32
    %broadcast_in_dim3A_1 = vector.broadcast %broadcast_in_dim3A : f32 to vector<16xf32>
    %scan3A = arith.constant 0 : i32
    %scan3A_2 = arith.constant 0 : i32
    %scan3A_3 = arith.constant 128 : i32
    %scan3A_4 = arith.addi %scan3A_2, %scan3A_3 : i32
    %scan3A_5 = arith.constant 1 : i32
    scf.for %scan3A_44 = %scan3A_2 to %scan3A_4 step %scan3A_5  : i32 {
      %swap3A = arith.index_cast %scan3A_44 : i32 to index
      %swap3A_45 = arith.constant 0 : index
      %swap3A_46 = tpu.vector_load %arg8[%swap3A, %swap3A_45] {strides = array<i32>} : memref<128x128xf32, #tpu.memory_space<vmem>>, vector<1x16xf32>,
      %swap3A_47 = vector.shape_cast %swap3A_46 : vector<1x16xf32> to vector<16xf32>
      %swap3A_48 = vector.shape_cast %broadcast_in_dim3A_1 : vector<16xf32> to vector<1x16xf32>
      tpu.vector_store %arg8[%swap3A, %swap3A_45], %swap3A_48 {strides = array<i32>} : memref<128x128xf32, #tpu.memory_space<vmem>>, vector<1x16xf32>,
      %swap3A_49 = arith.index_cast %scan3A_44 : i32 to index
      %swap3A_50 = arith.constant 16 : index
      %swap3A_51 = tpu.vector_load %arg8[%swap3A_49, %swap3A_50] {strides = array<i32>} : memref<128x128xf32, #tpu.memory_space<vmem>>, vector<1x16xf32>,
      %swap3A_52 = vector.shape_cast %swap3A_51 : vector<1x16xf32> to vector<16xf32>
      %swap3A_53 = vector.shape_cast %broadcast_in_dim3A_1 : vector<16xf32> to vector<1x16xf32>
      tpu.vector_store %arg8[%swap3A_49, %swap3A_50], %swap3A_53 {strides = array<i32>} : memref<128x128xf32, #tpu.memory_space<vmem>>, vector<1x16xf32>,
      %swap3A_54 = arith.index_cast %scan3A_44 : i32 to index
      %swap3A_55 = arith.constant 32 : index
      %swap3A_56 = tpu.vector_load %arg8[%swap3A_54, %swap3A_55] {strides = array<i32>} : memref<128x128xf32, #tpu.memory_space<vmem>>, vector<1x16xf32>,
      %swap3A_57 = vector.shape_cast %swap3A_56 : vector<1x16xf32> to vector<16xf32>
      %swap3A_58 = vector.shape_cast %broadcast_in_dim3A_1 : vector<16xf32> to vector<1x16xf32>
      tpu.vector_store %arg8[%swap3A_54, %swap3A_55], %swap3A_58 {strides = array<i32>} : memref<128x128xf32, #tpu.memory_space<vmem>>, vector<1x16xf32>,
      %swap3A_59 = arith.index_cast %scan3A_44 : i32 to index
      %swap3A_60 = arith.constant 48 : index
      %swap3A_61 = tpu.vector_load %arg8[%swap3A_59, %swap3A_60] {strides = array<i32>} : memref<128x128xf32, #tpu.memory_space<vmem>>, vector<1x16xf32>,
      %swap3A_62 = vector.shape_cast %swap3A_61 : vector<1x16xf32> to vector<16xf32>
      %swap3A_63 = vector.shape_cast %broadcast_in_dim3A_1 : vector<16xf32> to vector<1x16xf32>
      tpu.vector_store %arg8[%swap3A_59, %swap3A_60], %swap3A_63 {strides = array<i32>} : memref<128x128xf32, #tpu.memory_space<vmem>>, vector<1x16xf32>,
      %swap3A_64 = arith.index_cast %scan3A_44 : i32 to index
      %swap3A_65 = arith.constant 64 : index
      %swap3A_66 = tpu.vector_load %arg8[%swap3A_64, %swap3A_65] {strides = array<i32>} : memref<128x128xf32, #tpu.memory_space<vmem>>, vector<1x16xf32>,
      %swap3A_67 = vector.shape_cast %swap3A_66 : vector<1x16xf32> to vector<16xf32>
      %swap3A_68 = vector.shape_cast %broadcast_in_dim3A_1 : vector<16xf32> to vector<1x16xf32>
      tpu.vector_store %arg8[%swap3A_64, %swap3A_65], %swap3A_68 {strides = array<i32>} : memref<128x128xf32, #tpu.memory_space<vmem>>, vector<1x16xf32>,
      %swap3A_69 = arith.index_cast %scan3A_44 : i32 to index
      %swap3A_70 = arith.constant 80 : index
      %swap3A_71 = tpu.vector_load %arg8[%swap3A_69, %swap3A_70] {strides = array<i32>} : memref<128x128xf32, #tpu.memory_space<vmem>>, vector<1x16xf32>,
      %swap3A_72 = vector.shape_cast %swap3A_71 : vector<1x16xf32> to vector<16xf32>
      %swap3A_73 = vector.shape_cast %broadcast_in_dim3A_1 : vector<16xf32> to vector<1x16xf32>
      tpu.vector_store %arg8[%swap3A_69, %swap3A_70], %swap3A_73 {strides = array<i32>} : memref<128x128xf32, #tpu.memory_space<vmem>>, vector<1x16xf32>,
      %swap3A_74 = arith.index_cast %scan3A_44 : i32 to index
      %swap3A_75 = arith.constant 96 : index
      %swap3A_76 = tpu.vector_load %arg8[%swap3A_74, %swap3A_75] {strides = array<i32>} : memref<128x128xf32, #tpu.memory_space<vmem>>, vector<1x16xf32>,
      %swap3A_77 = vector.shape_cast %swap3A_76 : vector<1x16xf32> to vector<16xf32>
      %swap3A_78 = vector.shape_cast %broadcast_in_dim3A_1 : vector<16xf32> to vector<1x16xf32>
      tpu.vector_store %arg8[%swap3A_74, %swap3A_75], %swap3A_78 {strides = array<i32>} : memref<128x128xf32, #tpu.memory_space<vmem>>, vector<1x16xf32>,
      %swap3A_79 = arith.index_cast %scan3A_44 : i32 to index
      %swap3A_80 = arith.constant 112 : index
      %swap3A_81 = tpu.vector_load %arg8[%swap3A_79, %swap3A_80] {strides = array<i32>} : memref<128x128xf32, #tpu.memory_space<vmem>>, vector<1x16xf32>,
      %swap3A_82 = vector.shape_cast %swap3A_81 : vector<1x16xf32> to vector<16xf32>
      %swap3A_83 = vector.shape_cast %broadcast_in_dim3A_1 : vector<16xf32> to vector<1x16xf32>
      tpu.vector_store %arg8[%swap3A_79, %swap3A_80], %swap3A_83 {strides = array<i32>} : memref<128x128xf32, #tpu.memory_space<vmem>>, vector<1x16xf32>,
    }
    %scan3A_6 = arith.constant 128 : i32
    %mul3A_7 = arith.constant 632 : i32
    %mul3A_8 = arith.muli %arg1, %mul3A_7 : i32
    %add3A_9 = arith.constant 0 : i32
    %add3A_10 = arith.addi %mul3A_8, %add3A_9 : i32
    "tpu.region"() ({
      %run_scoped3A = tpu.sem_alloc : memref<!tpu.dma_semaphore, #tpu.memory_space<semaphore_mem>>
      %dma_start3A_44 = arith.constant 0 : i32
      %dma_start3A_45 = arith.constant 0 : i32
      %dma_start3A_46 = tpu.memref_slice %arg8[%dma_start3A_44, %dma_start3A_45] : memref<128x128xf32, #tpu.memory_space<vmem>> -> memref<128x128xf32, #tpu.memory_space<vmem>>
      %dma_start3A_47 = arith.constant 0 : i32
      %dma_start3A_48 = tpu.memref_slice %arg10[%add3A_10, %dma_start3A_47] : memref<10112x128xf32, #tpu.memory_space<vmem_shared>> -> memref<128x128xf32, #tpu.memory_space<vmem_shared>>
      %dma_start3A_49 = arith.constant 0 : i32
      %dma_start3A_50 = tpu.memref_slice %arg10[%add3A_10, %dma_start3A_49] : memref<10112x128xf32, #tpu.memory_space<vmem_shared>> -> memref<128x128xf32, #tpu.memory_space<vmem_shared>>
      %dma_start3A_51 = arith.constant 0 : i32
      %dma_start3A_52 = arith.constant 0 : i32
      %dma_start3A_53 = tpu.memref_slice %arg8[%dma_start3A_51, %dma_start3A_52] : memref<128x128xf32, #tpu.memory_space<vmem>> -> memref<128x128xf32, #tpu.memory_space<vmem>>
      tpu.enqueue_dma source(%dma_start3A_53 : memref<128x128xf32, #tpu.memory_space<vmem>>) target(%dma_start3A_50 : memref<128x128xf32, #tpu.memory_space<vmem_shared>>) target_semaphore(%run_scoped3A : memref<!tpu.dma_semaphore, #tpu.memory_space<semaphore_mem>>)
      %dma_wait3A = arith.constant 0 : i32
      %dma_wait3A_54 = arith.constant 0 : i32
      %dma_wait3A_55 = tpu.memref_slice %arg8[%dma_wait3A, %dma_wait3A_54] : memref<128x128xf32, #tpu.memory_space<vmem>> -> memref<128x128xf32, #tpu.memory_space<vmem>>
      %dma_wait3A_56 = arith.constant 0 : i32
      %dma_wait3A_57 = tpu.memref_slice %arg10[%add3A_10, %dma_wait3A_56] : memref<10112x128xf32, #tpu.memory_space<vmem_shared>> -> memref<128x128xf32, #tpu.memory_space<vmem_shared>>
      %dma_wait3A_58 = arith.constant 0 : i32
      %dma_wait3A_59 = tpu.memref_slice %arg10[%add3A_10, %dma_wait3A_58] : memref<10112x128xf32, #tpu.memory_space<vmem_shared>> -> memref<128x128xf32, #tpu.memory_space<vmem_shared>>
      %dma_wait3A_60 = arith.constant 0 : i32
      %dma_wait3A_61 = arith.constant 0 : i32
      %dma_wait3A_62 = tpu.memref_slice %arg8[%dma_wait3A_60, %dma_wait3A_61] : memref<128x128xf32, #tpu.memory_space<vmem>> -> memref<128x128xf32, #tpu.memory_space<vmem>>
      tpu.wait_dma2 semaphore(%run_scoped3A : memref<!tpu.dma_semaphore, #tpu.memory_space<semaphore_mem>>) src(%dma_wait3A_62 : memref<128x128xf32, #tpu.memory_space<vmem>>) dst(%dma_wait3A_59 : memref<128x128xf32, #tpu.memory_space<vmem_shared>>)
      tpu.yield
    }) : () -> ()
    %mul3A_11 = arith.constant 632 : i32
    %mul3A_12 = arith.muli %arg1, %mul3A_11 : i32
    %add3A_13 = arith.constant 128 : i32
    %add3A_14 = arith.addi %mul3A_12, %add3A_13 : i32
    "tpu.region"() ({
      %run_scoped3A = tpu.sem_alloc : memref<!tpu.dma_semaphore, #tpu.memory_space<semaphore_mem>>
      %dma_start3A_44 = arith.constant 0 : i32
      %dma_start3A_45 = arith.constant 0 : i32
      %dma_start3A_46 = tpu.memref_slice %arg8[%dma_start3A_44, %dma_start3A_45] : memref<128x128xf32, #tpu.memory_space<vmem>> -> memref<128x128xf32, #tpu.memory_space<vmem>>
      %dma_start3A_47 = arith.constant 0 : i32
      %dma_start3A_48 = tpu.memref_slice %arg10[%add3A_14, %dma_start3A_47] : memref<10112x128xf32, #tpu.memory_space<vmem_shared>> -> memref<128x128xf32, #tpu.memory_space<vmem_shared>>
      %dma_start3A_49 = arith.constant 0 : i32
      %dma_start3A_50 = tpu.memref_slice %arg10[%add3A_14, %dma_start3A_49] : memref<10112x128xf32, #tpu.memory_space<vmem_shared>> -> memref<128x128xf32, #tpu.memory_space<vmem_shared>>
      %dma_start3A_51 = arith.constant 0 : i32
      %dma_start3A_52 = arith.constant 0 : i32
      %dma_start3A_53 = tpu.memref_slice %arg8[%dma_start3A_51, %dma_start3A_52] : memref<128x128xf32, #tpu.memory_space<vmem>> -> memref<128x128xf32, #tpu.memory_space<vmem>>
      tpu.enqueue_dma source(%dma_start3A_53 : memref<128x128xf32, #tpu.memory_space<vmem>>) target(%dma_start3A_50 : memref<128x128xf32, #tpu.memory_space<vmem_shared>>) target_semaphore(%run_scoped3A : memref<!tpu.dma_semaphore, #tpu.memory_space<semaphore_mem>>)
      %dma_wait3A = arith.constant 0 : i32
      %dma_wait3A_54 = arith.constant 0 : i32
      %dma_wait3A_55 = tpu.memref_slice %arg8[%dma_wait3A, %dma_wait3A_54] : memref<128x128xf32, #tpu.memory_space<vmem>> -> memref<128x128xf32, #tpu.memory_space<vmem>>
      %dma_wait3A_56 = arith.constant 0 : i32
      %dma_wait3A_57 = tpu.memref_slice %arg10[%add3A_14, %dma_wait3A_56] : memref<10112x128xf32, #tpu.memory_space<vmem_shared>> -> memref<128x128xf32, #tpu.memory_space<vmem_shared>>
      %dma_wait3A_58 = arith.constant 0 : i32
      %dma_wait3A_59 = tpu.memref_slice %arg10[%add3A_14, %dma_wait3A_58] : memref<10112x128xf32, #tpu.memory_space<vmem_shared>> -> memref<128x128xf32, #tpu.memory_space<vmem_shared>>
      %dma_wait3A_60 = arith.constant 0 : i32
      %dma_wait3A_61 = arith.constant 0 : i32
      %dma_wait3A_62 = tpu.memref_slice %arg8[%dma_wait3A_60, %dma_wait3A_61] : memref<128x128xf32, #tpu.memory_space<vmem>> -> memref<128x128xf32, #tpu.memory_space<vmem>>
      tpu.wait_dma2 semaphore(%run_scoped3A : memref<!tpu.dma_semaphore, #tpu.memory_space<semaphore_mem>>) src(%dma_wait3A_62 : memref<128x128xf32, #tpu.memory_space<vmem>>) dst(%dma_wait3A_59 : memref<128x128xf32, #tpu.memory_space<vmem_shared>>)
      tpu.yield
    }) : () -> ()
    %mul3A_15 = arith.constant 632 : i32
    %mul3A_16 = arith.muli %arg1, %mul3A_15 : i32
    %add3A_17 = arith.constant 256 : i32
    %add3A_18 = arith.addi %mul3A_16, %add3A_17 : i32
    "tpu.region"() ({
      %run_scoped3A = tpu.sem_alloc : memref<!tpu.dma_semaphore, #tpu.memory_space<semaphore_mem>>
      %dma_start3A_44 = arith.constant 0 : i32
      %dma_start3A_45 = arith.constant 0 : i32
      %dma_start3A_46 = tpu.memref_slice %arg8[%dma_start3A_44, %dma_start3A_45] : memref<128x128xf32, #tpu.memory_space<vmem>> -> memref<128x128xf32, #tpu.memory_space<vmem>>
      %dma_start3A_47 = arith.constant 0 : i32
      %dma_start3A_48 = tpu.memref_slice %arg10[%add3A_18, %dma_start3A_47] : memref<10112x128xf32, #tpu.memory_space<vmem_shared>> -> memref<128x128xf32, #tpu.memory_space<vmem_shared>>
      %dma_start3A_49 = arith.constant 0 : i32
      %dma_start3A_50 = tpu.memref_slice %arg10[%add3A_18, %dma_start3A_49] : memref<10112x128xf32, #tpu.memory_space<vmem_shared>> -> memref<128x128xf32, #tpu.memory_space<vmem_shared>>
      %dma_start3A_51 = arith.constant 0 : i32
      %dma_start3A_52 = arith.constant 0 : i32
      %dma_start3A_53 = tpu.memref_slice %arg8[%dma_start3A_51, %dma_start3A_52] : memref<128x128xf32, #tpu.memory_space<vmem>> -> memref<128x128xf32, #tpu.memory_space<vmem>>
      tpu.enqueue_dma source(%dma_start3A_53 : memref<128x128xf32, #tpu.memory_space<vmem>>) target(%dma_start3A_50 : memref<128x128xf32, #tpu.memory_space<vmem_shared>>) target_semaphore(%run_scoped3A : memref<!tpu.dma_semaphore, #tpu.memory_space<semaphore_mem>>)
      %dma_wait3A = arith.constant 0 : i32
      %dma_wait3A_54 = arith.constant 0 : i32
      %dma_wait3A_55 = tpu.memref_slice %arg8[%dma_wait3A, %dma_wait3A_54] : memref<128x128xf32, #tpu.memory_space<vmem>> -> memref<128x128xf32, #tpu.memory_space<vmem>>
      %dma_wait3A_56 = arith.constant 0 : i32
      %dma_wait3A_57 = tpu.memref_slice %arg10[%add3A_18, %dma_wait3A_56] : memref<10112x128xf32, #tpu.memory_space<vmem_shared>> -> memref<128x128xf32, #tpu.memory_space<vmem_shared>>
      %dma_wait3A_58 = arith.constant 0 : i32
      %dma_wait3A_59 = tpu.memref_slice %arg10[%add3A_18, %dma_wait3A_58] : memref<10112x128xf32, #tpu.memory_space<vmem_shared>> -> memref<128x128xf32, #tpu.memory_space<vmem_shared>>
      %dma_wait3A_60 = arith.constant 0 : i32
      %dma_wait3A_61 = arith.constant 0 : i32
      %dma_wait3A_62 = tpu.memref_slice %arg8[%dma_wait3A_60, %dma_wait3A_61] : memref<128x128xf32, #tpu.memory_space<vmem>> -> memref<128x128xf32, #tpu.memory_space<vmem>>
      tpu.wait_dma2 semaphore(%run_scoped3A : memref<!tpu.dma_semaphore, #tpu.memory_space<semaphore_mem>>) src(%dma_wait3A_62 : memref<128x128xf32, #tpu.memory_space<vmem>>) dst(%dma_wait3A_59 : memref<128x128xf32, #tpu.memory_space<vmem_shared>>)
      tpu.yield
    }) : () -> ()
    %mul3A_19 = arith.constant 632 : i32
    %mul3A_20 = arith.muli %arg1, %mul3A_19 : i32
    %add3A_21 = arith.constant 384 : i32
    %add3A_22 = arith.addi %mul3A_20, %add3A_21 : i32
    "tpu.region"() ({
      %run_scoped3A = tpu.sem_alloc : memref<!tpu.dma_semaphore, #tpu.memory_space<semaphore_mem>>
      %dma_start3A_44 = arith.constant 0 : i32
      %dma_start3A_45 = arith.constant 0 : i32
      %dma_start3A_46 = tpu.memref_slice %arg8[%dma_start3A_44, %dma_start3A_45] : memref<128x128xf32, #tpu.memory_space<vmem>> -> memref<128x128xf32, #tpu.memory_space<vmem>>
      %dma_start3A_47 = arith.constant 0 : i32
      %dma_start3A_48 = tpu.memref_slice %arg10[%add3A_22, %dma_start3A_47] : memref<10112x128xf32, #tpu.memory_space<vmem_shared>> -> memref<128x128xf32, #tpu.memory_space<vmem_shared>>
      %dma_start3A_49 = arith.constant 0 : i32
      %dma_start3A_50 = tpu.memref_slice %arg10[%add3A_22, %dma_start3A_49] : memref<10112x128xf32, #tpu.memory_space<vmem_shared>> -> memref<128x128xf32, #tpu.memory_space<vmem_shared>>
      %dma_start3A_51 = arith.constant 0 : i32
      %dma_start3A_52 = arith.constant 0 : i32
      %dma_start3A_53 = tpu.memref_slice %arg8[%dma_start3A_51, %dma_start3A_52] : memref<128x128xf32, #tpu.memory_space<vmem>> -> memref<128x128xf32, #tpu.memory_space<vmem>>
      tpu.enqueue_dma source(%dma_start3A_53 : memref<128x128xf32, #tpu.memory_space<vmem>>) target(%dma_start3A_50 : memref<128x128xf32, #tpu.memory_space<vmem_shared>>) target_semaphore(%run_scoped3A : memref<!tpu.dma_semaphore, #tpu.memory_space<semaphore_mem>>)
      %dma_wait3A = arith.constant 0 : i32
      %dma_wait3A_54 = arith.constant 0 : i32
      %dma_wait3A_55 = tpu.memref_slice %arg8[%dma_wait3A, %dma_wait3A_54] : memref<128x128xf32, #tpu.memory_space<vmem>> -> memref<128x128xf32, #tpu.memory_space<vmem>>
      %dma_wait3A_56 = arith.constant 0 : i32
      %dma_wait3A_57 = tpu.memref_slice %arg10[%add3A_22, %dma_wait3A_56] : memref<10112x128xf32, #tpu.memory_space<vmem_shared>> -> memref<128x128xf32, #tpu.memory_space<vmem_shared>>
      %dma_wait3A_58 = arith.constant 0 : i32
      %dma_wait3A_59 = tpu.memref_slice %arg10[%add3A_22, %dma_wait3A_58] : memref<10112x128xf32, #tpu.memory_space<vmem_shared>> -> memref<128x128xf32, #tpu.memory_space<vmem_shared>>
      %dma_wait3A_60 = arith.constant 0 : i32
      %dma_wait3A_61 = arith.constant 0 : i32
      %dma_wait3A_62 = tpu.memref_slice %arg8[%dma_wait3A_60, %dma_wait3A_61] : memref<128x128xf32, #tpu.memory_space<vmem>> -> memref<128x128xf32, #tpu.memory_space<vmem>>
      tpu.wait_dma2 semaphore(%run_scoped3A : memref<!tpu.dma_semaphore, #tpu.memory_space<semaphore_mem>>) src(%dma_wait3A_62 : memref<128x128xf32, #tpu.memory_space<vmem>>) dst(%dma_wait3A_59 : memref<128x128xf32, #tpu.memory_space<vmem_shared>>)
      tpu.yield
    }) : () -> ()
    %mul3A_23 = arith.constant 632 : i32
    %mul3A_24 = arith.muli %arg1, %mul3A_23 : i32
    %add3A_25 = arith.constant 512 : i32
    %add3A_26 = arith.addi %mul3A_24, %add3A_25 : i32
    "tpu.region"() ({
      %run_scoped3A = tpu.sem_alloc : memref<!tpu.dma_semaphore, #tpu.memory_space<semaphore_mem>>
      %dma_start3A_44 = arith.constant 0 : i32
      %dma_start3A_45 = arith.constant 0 : i32
      %dma_start3A_46 = tpu.memref_slice %arg8[%dma_start3A_44, %dma_start3A_45] : memref<128x128xf32, #tpu.memory_space<vmem>> -> memref<120x128xf32, #tpu.memory_space<vmem>>
      %dma_start3A_47 = arith.constant 0 : i32
      %dma_start3A_48 = tpu.memref_slice %arg10[%add3A_26, %dma_start3A_47] : memref<10112x128xf32, #tpu.memory_space<vmem_shared>> -> memref<120x128xf32, #tpu.memory_space<vmem_shared>>
      %dma_start3A_49 = arith.constant 0 : i32
      %dma_start3A_50 = tpu.memref_slice %arg10[%add3A_26, %dma_start3A_49] : memref<10112x128xf32, #tpu.memory_space<vmem_shared>> -> memref<120x128xf32, #tpu.memory_space<vmem_shared>>
      %dma_start3A_51 = arith.constant 0 : i32
      %dma_start3A_52 = arith.constant 0 : i32
      %dma_start3A_53 = tpu.memref_slice %arg8[%dma_start3A_51, %dma_start3A_52] : memref<128x128xf32, #tpu.memory_space<vmem>> -> memref<120x128xf32, #tpu.memory_space<vmem>>
      tpu.enqueue_dma source(%dma_start3A_53 : memref<120x128xf32, #tpu.memory_space<vmem>>) target(%dma_start3A_50 : memref<120x128xf32, #tpu.memory_space<vmem_shared>>) target_semaphore(%run_scoped3A : memref<!tpu.dma_semaphore, #tpu.memory_space<semaphore_mem>>)
      %dma_wait3A = arith.constant 0 : i32
      %dma_wait3A_54 = arith.constant 0 : i32
      %dma_wait3A_55 = tpu.memref_slice %arg8[%dma_wait3A, %dma_wait3A_54] : memref<128x128xf32, #tpu.memory_space<vmem>> -> memref<120x128xf32, #tpu.memory_space<vmem>>
      %dma_wait3A_56 = arith.constant 0 : i32
      %dma_wait3A_57 = tpu.memref_slice %arg10[%add3A_26, %dma_wait3A_56] : memref<10112x128xf32, #tpu.memory_space<vmem_shared>> -> memref<120x128xf32, #tpu.memory_space<vmem_shared>>
      %dma_wait3A_58 = arith.constant 0 : i32
      %dma_wait3A_59 = tpu.memref_slice %arg10[%add3A_26, %dma_wait3A_58] : memref<10112x128xf32, #tpu.memory_space<vmem_shared>> -> memref<120x128xf32, #tpu.memory_space<vmem_shared>>
      %dma_wait3A_60 = arith.constant 0 : i32
      %dma_wait3A_61 = arith.constant 0 : i32
      %dma_wait3A_62 = tpu.memref_slice %arg8[%dma_wait3A_60, %dma_wait3A_61] : memref<128x128xf32, #tpu.memory_space<vmem>> -> memref<120x128xf32, #tpu.memory_space<vmem>>
      tpu.wait_dma2 semaphore(%run_scoped3A : memref<!tpu.dma_semaphore, #tpu.memory_space<semaphore_mem>>) src(%dma_wait3A_62 : memref<120x128xf32, #tpu.memory_space<vmem>>) dst(%dma_wait3A_59 : memref<120x128xf32, #tpu.memory_space<vmem_shared>>)
      tpu.yield
    }) : () -> ()
    "tpu.region"() ({
      %run_scoped3A = tpu.sem_alloc : memref<!tpu.dma_semaphore, #tpu.memory_space<semaphore_mem>>
      %dma_start3A_44 = arith.constant 0 : i32
      %dma_start3A_45 = arith.constant 0 : i32
      %dma_start3A_46 = tpu.memref_slice %arg3[%add3A, %dma_start3A_44, %dma_start3A_45] : memref<32x34x128xi32, #tpu.memory_space<hbm>> -> memref<1x34x128xi32, #tpu.memory_space<hbm>>
      %dma_start3A_47 = tpu.memref_squeeze %dma_start3A_46 : memref<1x34x128xi32, #tpu.memory_space<hbm>> -> memref<34x128xi32, #tpu.memory_space<hbm>>
      %dma_start3A_48 = arith.constant 0 : i32
      %dma_start3A_49 = arith.constant 0 : i32
      %dma_start3A_50 = tpu.memref_slice %arg3[%add3A, %dma_start3A_48, %dma_start3A_49] : memref<32x34x128xi32, #tpu.memory_space<hbm>> -> memref<1x34x128xi32, #tpu.memory_space<hbm>>
      %dma_start3A_51 = tpu.memref_squeeze %dma_start3A_50 : memref<1x34x128xi32, #tpu.memory_space<hbm>> -> memref<34x128xi32, #tpu.memory_space<hbm>>
      tpu.enqueue_dma source(%dma_start3A_51 : memref<34x128xi32, #tpu.memory_space<hbm>>) target(%arg6 : memref<34x128xi32, #tpu.memory_space<vmem>>) target_semaphore(%run_scoped3A : memref<!tpu.dma_semaphore, #tpu.memory_space<semaphore_mem>>)
      %dma_wait3A = arith.constant 0 : i32
      %dma_wait3A_52 = arith.constant 0 : i32
      %dma_wait3A_53 = tpu.memref_slice %arg3[%add3A, %dma_wait3A, %dma_wait3A_52] : memref<32x34x128xi32, #tpu.memory_space<hbm>> -> memref<1x34x128xi32, #tpu.memory_space<hbm>>
      %dma_wait3A_54 = tpu.memref_squeeze %dma_wait3A_53 : memref<1x34x128xi32, #tpu.memory_space<hbm>> -> memref<34x128xi32, #tpu.memory_space<hbm>>
      %dma_wait3A_55 = arith.constant 0 : i32
      %dma_wait3A_56 = arith.constant 0 : i32
      %dma_wait3A_57 = tpu.memref_slice %arg3[%add3A, %dma_wait3A_55, %dma_wait3A_56] : memref<32x34x128xi32, #tpu.memory_space<hbm>> -> memref<1x34x128xi32, #tpu.memory_space<hbm>>
      %dma_wait3A_58 = tpu.memref_squeeze %dma_wait3A_57 : memref<1x34x128xi32, #tpu.memory_space<hbm>> -> memref<34x128xi32, #tpu.memory_space<hbm>>
      tpu.wait_dma2 semaphore(%run_scoped3A : memref<!tpu.dma_semaphore, #tpu.memory_space<semaphore_mem>>) src(%dma_wait3A_58 : memref<34x128xi32, #tpu.memory_space<hbm>>) dst(%arg6 : memref<34x128xi32, #tpu.memory_space<vmem>>)
      tpu.yield
    }) : () -> ()
    "tpu.region"() ({
      %run_scoped3A = tpu.sem_alloc : memref<!tpu.dma_semaphore, #tpu.memory_space<semaphore_mem>>
      %dma_start3A_44 = arith.constant 0 : i32
      %dma_start3A_45 = arith.constant 0 : i32
      %dma_start3A_46 = tpu.memref_slice %arg4[%add3A, %dma_start3A_44, %dma_start3A_45] : memref<32x34x128xi32, #tpu.memory_space<hbm>> -> memref<1x34x128xi32, #tpu.memory_space<hbm>>
      %dma_start3A_47 = tpu.memref_squeeze %dma_start3A_46 : memref<1x34x128xi32, #tpu.memory_space<hbm>> -> memref<34x128xi32, #tpu.memory_space<hbm>>
      %dma_start3A_48 = arith.constant 0 : i32
      %dma_start3A_49 = arith.constant 0 : i32
      %dma_start3A_50 = tpu.memref_slice %arg4[%add3A, %dma_start3A_48, %dma_start3A_49] : memref<32x34x128xi32, #tpu.memory_space<hbm>> -> memref<1x34x128xi32, #tpu.memory_space<hbm>>
      %dma_start3A_51 = tpu.memref_squeeze %dma_start3A_50 : memref<1x34x128xi32, #tpu.memory_space<hbm>> -> memref<34x128xi32, #tpu.memory_space<hbm>>
      tpu.enqueue_dma source(%dma_start3A_51 : memref<34x128xi32, #tpu.memory_space<hbm>>) target(%arg7 : memref<34x128xi32, #tpu.memory_space<vmem>>) target_semaphore(%run_scoped3A : memref<!tpu.dma_semaphore, #tpu.memory_space<semaphore_mem>>)
      %dma_wait3A = arith.constant 0 : i32
      %dma_wait3A_52 = arith.constant 0 : i32
      %dma_wait3A_53 = tpu.memref_slice %arg4[%add3A, %dma_wait3A, %dma_wait3A_52] : memref<32x34x128xi32, #tpu.memory_space<hbm>> -> memref<1x34x128xi32, #tpu.memory_space<hbm>>
      %dma_wait3A_54 = tpu.memref_squeeze %dma_wait3A_53 : memref<1x34x128xi32, #tpu.memory_space<hbm>> -> memref<34x128xi32, #tpu.memory_space<hbm>>
      %dma_wait3A_55 = arith.constant 0 : i32
      %dma_wait3A_56 = arith.constant 0 : i32
      %dma_wait3A_57 = tpu.memref_slice %arg4[%add3A, %dma_wait3A_55, %dma_wait3A_56] : memref<32x34x128xi32, #tpu.memory_space<hbm>> -> memref<1x34x128xi32, #tpu.memory_space<hbm>>
      %dma_wait3A_58 = tpu.memref_squeeze %dma_wait3A_57 : memref<1x34x128xi32, #tpu.memory_space<hbm>> -> memref<34x128xi32, #tpu.memory_space<hbm>>
      tpu.wait_dma2 semaphore(%run_scoped3A : memref<!tpu.dma_semaphore, #tpu.memory_space<semaphore_mem>>) src(%dma_wait3A_58 : memref<34x128xi32, #tpu.memory_space<hbm>>) dst(%arg7 : memref<34x128xi32, #tpu.memory_space<vmem>>)
      tpu.yield
    }) : () -> ()
    %barrier3A = arith.constant 0 : index
    tpu.barrier barrier_id(%barrier3A)
    %dma_start3A = arith.constant 0 : i32
    %dma_start3A_27 = arith.constant 0 : i32
    %dma_start3A_28 = tpu.memref_slice %arg6[%dma_start3A, %dma_start3A_27] : memref<34x128xi32, #tpu.memory_space<vmem>> -> memref<1x128xi32, #tpu.memory_space<vmem>>
    %dma_start3A_29 = tpu.memref_squeeze %dma_start3A_28 : memref<1x128xi32, #tpu.memory_space<vmem>> -> memref<128xi32, #tpu.memory_space<vmem>>
    %dma_start3A_30 = arith.constant 0 : i32
    %dma_start3A_31 = arith.constant 0 : i32
    %dma_start3A_32 = tpu.memref_slice %arg2[%dma_start3A_30, %dma_start3A_31] : memref<110000x128xf32, #tpu.memory_space<hbm>> -> memref<110000x128xf32, #tpu.memory_space<hbm>>
    tpu.enqueue_indirect_dma source(%dma_start3A_32 : memref<110000x128xf32, #tpu.memory_space<hbm>>) target(%arg8 : memref<128x128xf32, #tpu.memory_space<vmem>>) offsets(%dma_start3A_29 : memref<128xi32, #tpu.memory_space<vmem>>) semaphore(%arg11 : memref<!tpu.dma_semaphore, #tpu.memory_space<semaphore_mem>>)
    %scan3A_33 = arith.constant 0 : i32
    %scan3A_34 = arith.constant 0 : i32
    %scan3A_35 = arith.constant 17 : i32
    %scan3A_36 = arith.addi %scan3A_34, %scan3A_35 : i32
    %scan3A_37 = arith.constant 1 : i32
    scf.for %scan3A_44 = %scan3A_34 to %scan3A_36 step %scan3A_37  : i32 {
      %mul3A_45 = arith.constant 2 : i32
      %mul3A_46 = arith.muli %mul3A_45, %scan3A_44 : i32
      %add3A_47 = arith.constant 1 : i32
      %add3A_48 = arith.addi %mul3A_46, %add3A_47 : i32
      %dma_start3A_49 = arith.constant 0 : i32
      %dma_start3A_50 = tpu.memref_slice %arg6[%add3A_48, %dma_start3A_49] : memref<34x128xi32, #tpu.memory_space<vmem>> -> memref<1x128xi32, #tpu.memory_space<vmem>>
      %dma_start3A_51 = tpu.memref_squeeze %dma_start3A_50 : memref<1x128xi32, #tpu.memory_space<vmem>> -> memref<128xi32, #tpu.memory_space<vmem>>
      %dma_start3A_52 = arith.constant 0 : i32
      %dma_start3A_53 = arith.constant 0 : i32
      %dma_start3A_54 = tpu.memref_slice %arg2[%dma_start3A_52, %dma_start3A_53] : memref<110000x128xf32, #tpu.memory_space<hbm>> -> memref<110000x128xf32, #tpu.memory_space<hbm>>
      tpu.enqueue_indirect_dma source(%dma_start3A_54 : memref<110000x128xf32, #tpu.memory_space<hbm>>) target(%arg9 : memref<128x128xf32, #tpu.memory_space<vmem>>) offsets(%dma_start3A_51 : memref<128xi32, #tpu.memory_space<vmem>>) semaphore(%arg12 : memref<!tpu.dma_semaphore, #tpu.memory_space<semaphore_mem>>)
      %dma_wait3A = arith.constant 0 : i32
      %dma_wait3A_55 = tpu.memref_slice %arg6[%mul3A_46, %dma_wait3A] : memref<34x128xi32, #tpu.memory_space<vmem>> -> memref<1x128xi32, #tpu.memory_space<vmem>>
      %dma_wait3A_56 = tpu.memref_squeeze %dma_wait3A_55 : memref<1x128xi32, #tpu.memory_space<vmem>> -> memref<128xi32, #tpu.memory_space<vmem>>
      %dma_wait3A_57 = arith.constant 0 : i32
      %dma_wait3A_58 = arith.constant 0 : i32
      %dma_wait3A_59 = tpu.memref_slice %arg2[%dma_wait3A_57, %dma_wait3A_58] : memref<110000x128xf32, #tpu.memory_space<hbm>> -> memref<110000x128xf32, #tpu.memory_space<hbm>>
      tpu.wait_indirect_dma semaphore(%arg11 : memref<!tpu.dma_semaphore, #tpu.memory_space<semaphore_mem>>) src(%dma_wait3A_59 : memref<110000x128xf32, #tpu.memory_space<hbm>>) dst(%arg8 : memref<128x128xf32, #tpu.memory_space<vmem>>)
      "tpu.region"() ({
        %run_scoped3A = tpu.sem_alloc : memref<!tpu.dma_semaphore, #tpu.memory_space<semaphore_mem>>
        %dma_start3A_74 = arith.constant 0 : i32
        %dma_start3A_75 = tpu.memref_slice %arg7[%mul3A_46, %dma_start3A_74] : memref<34x128xi32, #tpu.memory_space<vmem>> -> memref<1x128xi32, #tpu.memory_space<vmem>>
        %dma_start3A_76 = tpu.memref_squeeze %dma_start3A_75 : memref<1x128xi32, #tpu.memory_space<vmem>> -> memref<128xi32, #tpu.memory_space<vmem>>
        %dma_start3A_77 = arith.constant 0 : i32
        %dma_start3A_78 = arith.constant 0 : i32
        %dma_start3A_79 = tpu.memref_slice %arg10[%dma_start3A_77, %dma_start3A_78] : memref<10112x128xf32, #tpu.memory_space<vmem_shared>> -> memref<10112x128xf32, #tpu.memory_space<vmem_shared>>
        tpu.enqueue_indirect_dma source(%arg8 : memref<128x128xf32, #tpu.memory_space<vmem>>) target(%dma_start3A_79 : memref<10112x128xf32, #tpu.memory_space<vmem_shared>>) offsets(%dma_start3A_76 : memref<128xi32, #tpu.memory_space<vmem>>) semaphore(%run_scoped3A : memref<!tpu.dma_semaphore, #tpu.memory_space<semaphore_mem>>) {add = true}
        %dma_wait3A_80 = arith.constant 0 : i32
        %dma_wait3A_81 = tpu.memref_slice %arg7[%mul3A_46, %dma_wait3A_80] : memref<34x128xi32, #tpu.memory_space<vmem>> -> memref<1x128xi32, #tpu.memory_space<vmem>>
        %dma_wait3A_82 = tpu.memref_squeeze %dma_wait3A_81 : memref<1x128xi32, #tpu.memory_space<vmem>> -> memref<128xi32, #tpu.memory_space<vmem>>
        %dma_wait3A_83 = arith.constant 0 : i32
        %dma_wait3A_84 = arith.constant 0 : i32
        %dma_wait3A_85 = tpu.memref_slice %arg10[%dma_wait3A_83, %dma_wait3A_84] : memref<10112x128xf32, #tpu.memory_space<vmem_shared>> -> memref<10112x128xf32, #tpu.memory_space<vmem_shared>>
        tpu.wait_indirect_dma semaphore(%run_scoped3A : memref<!tpu.dma_semaphore, #tpu.memory_space<semaphore_mem>>) src(%arg8 : memref<128x128xf32, #tpu.memory_space<vmem>>) dst(%dma_wait3A_85 : memref<10112x128xf32, #tpu.memory_space<vmem_shared>>)
        tpu.yield
      }) : () -> ()
      %add3A_60 = arith.constant 2 : i32
      %add3A_61 = arith.addi %mul3A_46, %add3A_60 : i32
      %lt3A = arith.constant 34 : i32
      %lt3A_62 = arith.cmpi slt, %add3A_61, %lt3A : i32
      %convert_element_type3A = arith.extui %lt3A_62 : i1 to i32
      %cond3A = arith.constant 0 : i32
      %cond3A_63 = arith.cmpi ne, %convert_element_type3A, %cond3A : i32
      scf.if %cond3A_63 {
        %add3A_74 = arith.constant 2 : i32
        %add3A_75 = arith.addi %mul3A_46, %add3A_74 : i32
        %dma_start3A_76 = arith.constant 0 : i32
        %dma_start3A_77 = tpu.memref_slice %arg6[%add3A_75, %dma_start3A_76] : memref<34x128xi32, #tpu.memory_space<vmem>> -> memref<1x128xi32, #tpu.memory_space<vmem>>
        %dma_start3A_78 = tpu.memref_squeeze %dma_start3A_77 : memref<1x128xi32, #tpu.memory_space<vmem>> -> memref<128xi32, #tpu.memory_space<vmem>>
        %dma_start3A_79 = arith.constant 0 : i32
        %dma_start3A_80 = arith.constant 0 : i32
        %dma_start3A_81 = tpu.memref_slice %arg2[%dma_start3A_79, %dma_start3A_80] : memref<110000x128xf32, #tpu.memory_space<hbm>> -> memref<110000x128xf32, #tpu.memory_space<hbm>>
        tpu.enqueue_indirect_dma source(%dma_start3A_81 : memref<110000x128xf32, #tpu.memory_space<hbm>>) target(%arg8 : memref<128x128xf32, #tpu.memory_space<vmem>>) offsets(%dma_start3A_78 : memref<128xi32, #tpu.memory_space<vmem>>) semaphore(%arg11 : memref<!tpu.dma_semaphore, #tpu.memory_space<semaphore_mem>>)
      } else {
      }
      %add3A_64 = arith.constant 1 : i32
      %add3A_65 = arith.addi %mul3A_46, %add3A_64 : i32
      %dma_wait3A_66 = arith.constant 0 : i32
      %dma_wait3A_67 = tpu.memref_slice %arg6[%add3A_65, %dma_wait3A_66] : memref<34x128xi32, #tpu.memory_space<vmem>> -> memref<1x128xi32, #tpu.memory_space<vmem>>
      %dma_wait3A_68 = tpu.memref_squeeze %dma_wait3A_67 : memref<1x128xi32, #tpu.memory_space<vmem>> -> memref<128xi32, #tpu.memory_space<vmem>>
      %dma_wait3A_69 = arith.constant 0 : i32
      %dma_wait3A_70 = arith.constant 0 : i32
      %dma_wait3A_71 = tpu.memref_slice %arg2[%dma_wait3A_69, %dma_wait3A_70] : memref<110000x128xf32, #tpu.memory_space<hbm>> -> memref<110000x128xf32, #tpu.memory_space<hbm>>
      tpu.wait_indirect_dma semaphore(%arg12 : memref<!tpu.dma_semaphore, #tpu.memory_space<semaphore_mem>>) src(%dma_wait3A_71 : memref<110000x128xf32, #tpu.memory_space<hbm>>) dst(%arg9 : memref<128x128xf32, #tpu.memory_space<vmem>>)
      %add3A_72 = arith.constant 1 : i32
      %add3A_73 = arith.addi %mul3A_46, %add3A_72 : i32
      "tpu.region"() ({
        %run_scoped3A = tpu.sem_alloc : memref<!tpu.dma_semaphore, #tpu.memory_space<semaphore_mem>>
        %dma_start3A_74 = arith.constant 0 : i32
        %dma_start3A_75 = tpu.memref_slice %arg7[%add3A_73, %dma_start3A_74] : memref<34x128xi32, #tpu.memory_space<vmem>> -> memref<1x128xi32, #tpu.memory_space<vmem>>
        %dma_start3A_76 = tpu.memref_squeeze %dma_start3A_75 : memref<1x128xi32, #tpu.memory_space<vmem>> -> memref<128xi32, #tpu.memory_space<vmem>>
        %dma_start3A_77 = arith.constant 0 : i32
        %dma_start3A_78 = arith.constant 0 : i32
        %dma_start3A_79 = tpu.memref_slice %arg10[%dma_start3A_77, %dma_start3A_78] : memref<10112x128xf32, #tpu.memory_space<vmem_shared>> -> memref<10112x128xf32, #tpu.memory_space<vmem_shared>>
        tpu.enqueue_indirect_dma source(%arg9 : memref<128x128xf32, #tpu.memory_space<vmem>>) target(%dma_start3A_79 : memref<10112x128xf32, #tpu.memory_space<vmem_shared>>) offsets(%dma_start3A_76 : memref<128xi32, #tpu.memory_space<vmem>>) semaphore(%run_scoped3A : memref<!tpu.dma_semaphore, #tpu.memory_space<semaphore_mem>>) {add = true}
        %dma_wait3A_80 = arith.constant 0 : i32
        %dma_wait3A_81 = tpu.memref_slice %arg7[%add3A_73, %dma_wait3A_80] : memref<34x128xi32, #tpu.memory_space<vmem>> -> memref<1x128xi32, #tpu.memory_space<vmem>>
        %dma_wait3A_82 = tpu.memref_squeeze %dma_wait3A_81 : memref<1x128xi32, #tpu.memory_space<vmem>> -> memref<128xi32, #tpu.memory_space<vmem>>
        %dma_wait3A_83 = arith.constant 0 : i32
        %dma_wait3A_84 = arith.constant 0 : i32
        %dma_wait3A_85 = tpu.memref_slice %arg10[%dma_wait3A_83, %dma_wait3A_84] : memref<10112x128xf32, #tpu.memory_space<vmem_shared>> -> memref<10112x128xf32, #tpu.memory_space<vmem_shared>>
        tpu.wait_indirect_dma semaphore(%run_scoped3A : memref<!tpu.dma_semaphore, #tpu.memory_space<semaphore_mem>>) src(%arg9 : memref<128x128xf32, #tpu.memory_space<vmem>>) dst(%dma_wait3A_85 : memref<10112x128xf32, #tpu.memory_space<vmem_shared>>)
        tpu.yield
      }) : () -> ()
    }
    %scan3A_38 = arith.constant 17 : i32
    %barrier3A_39 = arith.constant 0 : index
    tpu.barrier barrier_id(%barrier3A_39)
    %mul3A_40 = arith.constant 632 : i32
    %mul3A_41 = arith.muli %arg1, %mul3A_40 : i32
    %mul3A_42 = arith.constant 632 : i32
    %mul3A_43 = arith.muli %arg1, %mul3A_42 : i32
    "tpu.region"() ({
      %run_scoped3A = tpu.sem_alloc : memref<!tpu.dma_semaphore, #tpu.memory_space<semaphore_mem>>
      %dma_start3A_44 = arith.constant 0 : i32
      %dma_start3A_45 = tpu.memref_slice %arg5[%arg0, %mul3A_43, %dma_start3A_44] : memref<2x10112x128xf32, #tpu.memory_space<hbm>> -> memref<1x632x128xf32, #tpu.memory_space<hbm>>
      %dma_start3A_46 = tpu.memref_squeeze %dma_start3A_45 : memref<1x632x128xf32, #tpu.memory_space<hbm>> -> memref<632x128xf32, #tpu.memory_space<hbm>>
      %dma_start3A_47 = arith.constant 0 : i32
      %dma_start3A_48 = tpu.memref_slice %arg10[%mul3A_41, %dma_start3A_47] : memref<10112x128xf32, #tpu.memory_space<vmem_shared>> -> memref<632x128xf32, #tpu.memory_space<vmem_shared>>
      tpu.enqueue_dma source(%dma_start3A_48 : memref<632x128xf32, #tpu.memory_space<vmem_shared>>) target(%dma_start3A_46 : memref<632x128xf32, #tpu.memory_space<hbm>>) target_semaphore(%run_scoped3A : memref<!tpu.dma_semaphore, #tpu.memory_space<semaphore_mem>>)
      %dma_wait3A = arith.constant 0 : i32
      %dma_wait3A_49 = tpu.memref_slice %arg5[%arg0, %mul3A_43, %dma_wait3A] : memref<2x10112x128xf32, #tpu.memory_space<hbm>> -> memref<1x632x128xf32, #tpu.memory_space<hbm>>
      %dma_wait3A_50 = tpu.memref_squeeze %dma_wait3A_49 : memref<1x632x128xf32, #tpu.memory_space<hbm>> -> memref<632x128xf32, #tpu.memory_space<hbm>>
      %dma_wait3A_51 = arith.constant 0 : i32
      %dma_wait3A_52 = tpu.memref_slice %arg10[%mul3A_41, %dma_wait3A_51] : memref<10112x128xf32, #tpu.memory_space<vmem_shared>> -> memref<632x128xf32, #tpu.memory_space<vmem_shared>>
      tpu.wait_dma2 semaphore(%run_scoped3A : memref<!tpu.dma_semaphore, #tpu.memory_space<semaphore_mem>>) src(%dma_wait3A_52 : memref<632x128xf32, #tpu.memory_space<vmem_shared>>) dst(%dma_wait3A_50 : memref<632x128xf32, #tpu.memory_space<hbm>>)
      tpu.yield
    }) : () -> ()
    return
  }
}

module attributes {stable_mosaic.version = 14 : i64} {
  func.func @body(%arg0: i32, %arg1: memref<1000x128xf32, #tpu.memory_space<vmem>>, %arg2: memref<16x128x128xf32, #tpu.memory_space<vmem>>, %arg3: memref<16x1000x128xf32, #tpu.memory_space<vmem>>) attributes {dimension_semantics = [#tpu.dimension_semantics<arbitrary>], iteration_bounds = array<i64: 10>, scalar_prefetch = 0 : i64, scratch_operands = 0 : i64, tpu.core_type = #tpu.core_type<tc>, window_params = [{transform_indices = @transform_0, window_bounds = array<i64: 1000, 128>}, {pipeline_mode = #tpu.pipeline_mode<synchronous>, transform_indices = @transform_1, window_bounds = array<i64: 16, 128, 128>}, {transform_indices = @transform_2, window_bounds = array<i64: 16, 1000, 128>}]} {
    %get3A = arith.constant 0 : index
    %get3A_0 = arith.constant 0 : index
    %get3A_1 = vector.load %arg1[%get3A, %get3A_0] : memref<1000x128xf32, #tpu.memory_space<vmem>>, vector<1000x128xf32>
    %convert_element_type3A = arith.truncf %get3A_1 : vector<1000x128xf32> to vector<1000x128xbf16>
    %get3A_2 = arith.constant 0 : index
    %get3A_3 = arith.constant 0 : index
    %get3A_4 = arith.constant 0 : index
    %get3A_5 = vector.load %arg2[%get3A_2, %get3A_3, %get3A_4] : memref<16x128x128xf32, #tpu.memory_space<vmem>>, vector<1x128x128xf32>
    %get3A_6 = vector.shape_cast %get3A_5 : vector<1x128x128xf32> to vector<128x128xf32>
    %convert_element_type3A_7 = arith.truncf %get3A_6 : vector<128x128xf32> to vector<128x128xbf16>
    %dot_general3A = arith.constant dense<0.000000e+00> : vector<1000x128xf32>
    %dot_general3A_8 = tpu.matmul %convert_element_type3A, %convert_element_type3A_7, %dot_general3A {dimension_numbers = #tpu.dot_dimension_numbers<[1], [0], [0], [1], [0, 0, 1, 1], [], []>, transpose_lhs_hint = false} : vector<1000x128xbf16>, vector<128x128xbf16>, vector<1000x128xf32> -> vector<1000x128xf32>
    %swap3A = arith.constant 0 : index
    %swap3A_9 = arith.constant 0 : index
    %swap3A_10 = arith.constant 0 : index
    %swap3A_11 = vector.load %arg3[%swap3A, %swap3A_9, %swap3A_10] : memref<16x1000x128xf32, #tpu.memory_space<vmem>>, vector<1x1000x128xf32>
    %swap3A_12 = vector.shape_cast %swap3A_11 : vector<1x1000x128xf32> to vector<1000x128xf32>
    %swap3A_13 = vector.shape_cast %dot_general3A_8 : vector<1000x128xf32> to vector<1x1000x128xf32>
    tpu.vector_store %arg3[%swap3A, %swap3A_9, %swap3A_10], %swap3A_13 {strides = array<i32>} : memref<16x1000x128xf32, #tpu.memory_space<vmem>>, vector<1x1000x128xf32>,
    %get3A_14 = arith.constant 1 : index
    %get3A_15 = arith.constant 0 : index
    %get3A_16 = arith.constant 0 : index
    %get3A_17 = vector.load %arg2[%get3A_14, %get3A_15, %get3A_16] : memref<16x128x128xf32, #tpu.memory_space<vmem>>, vector<1x128x128xf32>
    %get3A_18 = vector.shape_cast %get3A_17 : vector<1x128x128xf32> to vector<128x128xf32>
    %convert_element_type3A_19 = arith.truncf %get3A_18 : vector<128x128xf32> to vector<128x128xbf16>
    %dot_general3A_20 = arith.constant dense<0.000000e+00> : vector<1000x128xf32>
    %dot_general3A_21 = tpu.matmul %convert_element_type3A, %convert_element_type3A_19, %dot_general3A_20 {dimension_numbers = #tpu.dot_dimension_numbers<[1], [0], [0], [1], [0, 0, 1, 1], [], []>, transpose_lhs_hint = false} : vector<1000x128xbf16>, vector<128x128xbf16>, vector<1000x128xf32> -> vector<1000x128xf32>
    %swap3A_22 = arith.constant 1 : index
    %swap3A_23 = arith.constant 0 : index
    %swap3A_24 = arith.constant 0 : index
    %swap3A_25 = vector.load %arg3[%swap3A_22, %swap3A_23, %swap3A_24] : memref<16x1000x128xf32, #tpu.memory_space<vmem>>, vector<1x1000x128xf32>
    %swap3A_26 = vector.shape_cast %swap3A_25 : vector<1x1000x128xf32> to vector<1000x128xf32>
    %swap3A_27 = vector.shape_cast %dot_general3A_21 : vector<1000x128xf32> to vector<1x1000x128xf32>
    tpu.vector_store %arg3[%swap3A_22, %swap3A_23, %swap3A_24], %swap3A_27 {strides = array<i32>} : memref<16x1000x128xf32, #tpu.memory_space<vmem>>, vector<1x1000x128xf32>,
    %get3A_28 = arith.constant 2 : index
    %get3A_29 = arith.constant 0 : index
    %get3A_30 = arith.constant 0 : index
    %get3A_31 = vector.load %arg2[%get3A_28, %get3A_29, %get3A_30] : memref<16x128x128xf32, #tpu.memory_space<vmem>>, vector<1x128x128xf32>
    %get3A_32 = vector.shape_cast %get3A_31 : vector<1x128x128xf32> to vector<128x128xf32>
    %convert_element_type3A_33 = arith.truncf %get3A_32 : vector<128x128xf32> to vector<128x128xbf16>
    %dot_general3A_34 = arith.constant dense<0.000000e+00> : vector<1000x128xf32>
    %dot_general3A_35 = tpu.matmul %convert_element_type3A, %convert_element_type3A_33, %dot_general3A_34 {dimension_numbers = #tpu.dot_dimension_numbers<[1], [0], [0], [1], [0, 0, 1, 1], [], []>, transpose_lhs_hint = false} : vector<1000x128xbf16>, vector<128x128xbf16>, vector<1000x128xf32> -> vector<1000x128xf32>
    %swap3A_36 = arith.constant 2 : index
    %swap3A_37 = arith.constant 0 : index
    %swap3A_38 = arith.constant 0 : index
    %swap3A_39 = vector.load %arg3[%swap3A_36, %swap3A_37, %swap3A_38] : memref<16x1000x128xf32, #tpu.memory_space<vmem>>, vector<1x1000x128xf32>
    %swap3A_40 = vector.shape_cast %swap3A_39 : vector<1x1000x128xf32> to vector<1000x128xf32>
    %swap3A_41 = vector.shape_cast %dot_general3A_35 : vector<1000x128xf32> to vector<1x1000x128xf32>
    tpu.vector_store %arg3[%swap3A_36, %swap3A_37, %swap3A_38], %swap3A_41 {strides = array<i32>} : memref<16x1000x128xf32, #tpu.memory_space<vmem>>, vector<1x1000x128xf32>,
    %get3A_42 = arith.constant 3 : index
    %get3A_43 = arith.constant 0 : index
    %get3A_44 = arith.constant 0 : index
    %get3A_45 = vector.load %arg2[%get3A_42, %get3A_43, %get3A_44] : memref<16x128x128xf32, #tpu.memory_space<vmem>>, vector<1x128x128xf32>
    %get3A_46 = vector.shape_cast %get3A_45 : vector<1x128x128xf32> to vector<128x128xf32>
    %convert_element_type3A_47 = arith.truncf %get3A_46 : vector<128x128xf32> to vector<128x128xbf16>
    %dot_general3A_48 = arith.constant dense<0.000000e+00> : vector<1000x128xf32>
    %dot_general3A_49 = tpu.matmul %convert_element_type3A, %convert_element_type3A_47, %dot_general3A_48 {dimension_numbers = #tpu.dot_dimension_numbers<[1], [0], [0], [1], [0, 0, 1, 1], [], []>, transpose_lhs_hint = false} : vector<1000x128xbf16>, vector<128x128xbf16>, vector<1000x128xf32> -> vector<1000x128xf32>
    %swap3A_50 = arith.constant 3 : index
    %swap3A_51 = arith.constant 0 : index
    %swap3A_52 = arith.constant 0 : index
    %swap3A_53 = vector.load %arg3[%swap3A_50, %swap3A_51, %swap3A_52] : memref<16x1000x128xf32, #tpu.memory_space<vmem>>, vector<1x1000x128xf32>
    %swap3A_54 = vector.shape_cast %swap3A_53 : vector<1x1000x128xf32> to vector<1000x128xf32>
    %swap3A_55 = vector.shape_cast %dot_general3A_49 : vector<1000x128xf32> to vector<1x1000x128xf32>
    tpu.vector_store %arg3[%swap3A_50, %swap3A_51, %swap3A_52], %swap3A_55 {strides = array<i32>} : memref<16x1000x128xf32, #tpu.memory_space<vmem>>, vector<1x1000x128xf32>,
    %get3A_56 = arith.constant 4 : index
    %get3A_57 = arith.constant 0 : index
    %get3A_58 = arith.constant 0 : index
    %get3A_59 = vector.load %arg2[%get3A_56, %get3A_57, %get3A_58] : memref<16x128x128xf32, #tpu.memory_space<vmem>>, vector<1x128x128xf32>
    %get3A_60 = vector.shape_cast %get3A_59 : vector<1x128x128xf32> to vector<128x128xf32>
    %convert_element_type3A_61 = arith.truncf %get3A_60 : vector<128x128xf32> to vector<128x128xbf16>
    %dot_general3A_62 = arith.constant dense<0.000000e+00> : vector<1000x128xf32>
    %dot_general3A_63 = tpu.matmul %convert_element_type3A, %convert_element_type3A_61, %dot_general3A_62 {dimension_numbers = #tpu.dot_dimension_numbers<[1], [0], [0], [1], [0, 0, 1, 1], [], []>, transpose_lhs_hint = false} : vector<1000x128xbf16>, vector<128x128xbf16>, vector<1000x128xf32> -> vector<1000x128xf32>
    %swap3A_64 = arith.constant 4 : index
    %swap3A_65 = arith.constant 0 : index
    %swap3A_66 = arith.constant 0 : index
    %swap3A_67 = vector.load %arg3[%swap3A_64, %swap3A_65, %swap3A_66] : memref<16x1000x128xf32, #tpu.memory_space<vmem>>, vector<1x1000x128xf32>
    %swap3A_68 = vector.shape_cast %swap3A_67 : vector<1x1000x128xf32> to vector<1000x128xf32>
    %swap3A_69 = vector.shape_cast %dot_general3A_63 : vector<1000x128xf32> to vector<1x1000x128xf32>
    tpu.vector_store %arg3[%swap3A_64, %swap3A_65, %swap3A_66], %swap3A_69 {strides = array<i32>} : memref<16x1000x128xf32, #tpu.memory_space<vmem>>, vector<1x1000x128xf32>,
    %get3A_70 = arith.constant 5 : index
    %get3A_71 = arith.constant 0 : index
    %get3A_72 = arith.constant 0 : index
    %get3A_73 = vector.load %arg2[%get3A_70, %get3A_71, %get3A_72] : memref<16x128x128xf32, #tpu.memory_space<vmem>>, vector<1x128x128xf32>
    %get3A_74 = vector.shape_cast %get3A_73 : vector<1x128x128xf32> to vector<128x128xf32>
    %convert_element_type3A_75 = arith.truncf %get3A_74 : vector<128x128xf32> to vector<128x128xbf16>
    %dot_general3A_76 = arith.constant dense<0.000000e+00> : vector<1000x128xf32>
    %dot_general3A_77 = tpu.matmul %convert_element_type3A, %convert_element_type3A_75, %dot_general3A_76 {dimension_numbers = #tpu.dot_dimension_numbers<[1], [0], [0], [1], [0, 0, 1, 1], [], []>, transpose_lhs_hint = false} : vector<1000x128xbf16>, vector<128x128xbf16>, vector<1000x128xf32> -> vector<1000x128xf32>
    %swap3A_78 = arith.constant 5 : index
    %swap3A_79 = arith.constant 0 : index
    %swap3A_80 = arith.constant 0 : index
    %swap3A_81 = vector.load %arg3[%swap3A_78, %swap3A_79, %swap3A_80] : memref<16x1000x128xf32, #tpu.memory_space<vmem>>, vector<1x1000x128xf32>
    %swap3A_82 = vector.shape_cast %swap3A_81 : vector<1x1000x128xf32> to vector<1000x128xf32>
    %swap3A_83 = vector.shape_cast %dot_general3A_77 : vector<1000x128xf32> to vector<1x1000x128xf32>
    tpu.vector_store %arg3[%swap3A_78, %swap3A_79, %swap3A_80], %swap3A_83 {strides = array<i32>} : memref<16x1000x128xf32, #tpu.memory_space<vmem>>, vector<1x1000x128xf32>,
    %get3A_84 = arith.constant 6 : index
    %get3A_85 = arith.constant 0 : index
    %get3A_86 = arith.constant 0 : index
    %get3A_87 = vector.load %arg2[%get3A_84, %get3A_85, %get3A_86] : memref<16x128x128xf32, #tpu.memory_space<vmem>>, vector<1x128x128xf32>
    %get3A_88 = vector.shape_cast %get3A_87 : vector<1x128x128xf32> to vector<128x128xf32>
    %convert_element_type3A_89 = arith.truncf %get3A_88 : vector<128x128xf32> to vector<128x128xbf16>
    %dot_general3A_90 = arith.constant dense<0.000000e+00> : vector<1000x128xf32>
    %dot_general3A_91 = tpu.matmul %convert_element_type3A, %convert_element_type3A_89, %dot_general3A_90 {dimension_numbers = #tpu.dot_dimension_numbers<[1], [0], [0], [1], [0, 0, 1, 1], [], []>, transpose_lhs_hint = false} : vector<1000x128xbf16>, vector<128x128xbf16>, vector<1000x128xf32> -> vector<1000x128xf32>
    %swap3A_92 = arith.constant 6 : index
    %swap3A_93 = arith.constant 0 : index
    %swap3A_94 = arith.constant 0 : index
    %swap3A_95 = vector.load %arg3[%swap3A_92, %swap3A_93, %swap3A_94] : memref<16x1000x128xf32, #tpu.memory_space<vmem>>, vector<1x1000x128xf32>
    %swap3A_96 = vector.shape_cast %swap3A_95 : vector<1x1000x128xf32> to vector<1000x128xf32>
    %swap3A_97 = vector.shape_cast %dot_general3A_91 : vector<1000x128xf32> to vector<1x1000x128xf32>
    tpu.vector_store %arg3[%swap3A_92, %swap3A_93, %swap3A_94], %swap3A_97 {strides = array<i32>} : memref<16x1000x128xf32, #tpu.memory_space<vmem>>, vector<1x1000x128xf32>,
    %get3A_98 = arith.constant 7 : index
    %get3A_99 = arith.constant 0 : index
    %get3A_100 = arith.constant 0 : index
    %get3A_101 = vector.load %arg2[%get3A_98, %get3A_99, %get3A_100] : memref<16x128x128xf32, #tpu.memory_space<vmem>>, vector<1x128x128xf32>
    %get3A_102 = vector.shape_cast %get3A_101 : vector<1x128x128xf32> to vector<128x128xf32>
    %convert_element_type3A_103 = arith.truncf %get3A_102 : vector<128x128xf32> to vector<128x128xbf16>
    %dot_general3A_104 = arith.constant dense<0.000000e+00> : vector<1000x128xf32>
    %dot_general3A_105 = tpu.matmul %convert_element_type3A, %convert_element_type3A_103, %dot_general3A_104 {dimension_numbers = #tpu.dot_dimension_numbers<[1], [0], [0], [1], [0, 0, 1, 1], [], []>, transpose_lhs_hint = false} : vector<1000x128xbf16>, vector<128x128xbf16>, vector<1000x128xf32> -> vector<1000x128xf32>
    %swap3A_106 = arith.constant 7 : index
    %swap3A_107 = arith.constant 0 : index
    %swap3A_108 = arith.constant 0 : index
    %swap3A_109 = vector.load %arg3[%swap3A_106, %swap3A_107, %swap3A_108] : memref<16x1000x128xf32, #tpu.memory_space<vmem>>, vector<1x1000x128xf32>
    %swap3A_110 = vector.shape_cast %swap3A_109 : vector<1x1000x128xf32> to vector<1000x128xf32>
    %swap3A_111 = vector.shape_cast %dot_general3A_105 : vector<1000x128xf32> to vector<1x1000x128xf32>
    tpu.vector_store %arg3[%swap3A_106, %swap3A_107, %swap3A_108], %swap3A_111 {strides = array<i32>} : memref<16x1000x128xf32, #tpu.memory_space<vmem>>, vector<1x1000x128xf32>,
    %get3A_112 = arith.constant 8 : index
    %get3A_113 = arith.constant 0 : index
    %get3A_114 = arith.constant 0 : index
    %get3A_115 = vector.load %arg2[%get3A_112, %get3A_113, %get3A_114] : memref<16x128x128xf32, #tpu.memory_space<vmem>>, vector<1x128x128xf32>
    %get3A_116 = vector.shape_cast %get3A_115 : vector<1x128x128xf32> to vector<128x128xf32>
    %convert_element_type3A_117 = arith.truncf %get3A_116 : vector<128x128xf32> to vector<128x128xbf16>
    %dot_general3A_118 = arith.constant dense<0.000000e+00> : vector<1000x128xf32>
    %dot_general3A_119 = tpu.matmul %convert_element_type3A, %convert_element_type3A_117, %dot_general3A_118 {dimension_numbers = #tpu.dot_dimension_numbers<[1], [0], [0], [1], [0, 0, 1, 1], [], []>, transpose_lhs_hint = false} : vector<1000x128xbf16>, vector<128x128xbf16>, vector<1000x128xf32> -> vector<1000x128xf32>
    %swap3A_120 = arith.constant 8 : index
    %swap3A_121 = arith.constant 0 : index
    %swap3A_122 = arith.constant 0 : index
    %swap3A_123 = vector.load %arg3[%swap3A_120, %swap3A_121, %swap3A_122] : memref<16x1000x128xf32, #tpu.memory_space<vmem>>, vector<1x1000x128xf32>
    %swap3A_124 = vector.shape_cast %swap3A_123 : vector<1x1000x128xf32> to vector<1000x128xf32>
    %swap3A_125 = vector.shape_cast %dot_general3A_119 : vector<1000x128xf32> to vector<1x1000x128xf32>
    tpu.vector_store %arg3[%swap3A_120, %swap3A_121, %swap3A_122], %swap3A_125 {strides = array<i32>} : memref<16x1000x128xf32, #tpu.memory_space<vmem>>, vector<1x1000x128xf32>,
    %get3A_126 = arith.constant 9 : index
    %get3A_127 = arith.constant 0 : index
    %get3A_128 = arith.constant 0 : index
    %get3A_129 = vector.load %arg2[%get3A_126, %get3A_127, %get3A_128] : memref<16x128x128xf32, #tpu.memory_space<vmem>>, vector<1x128x128xf32>
    %get3A_130 = vector.shape_cast %get3A_129 : vector<1x128x128xf32> to vector<128x128xf32>
    %convert_element_type3A_131 = arith.truncf %get3A_130 : vector<128x128xf32> to vector<128x128xbf16>
    %dot_general3A_132 = arith.constant dense<0.000000e+00> : vector<1000x128xf32>
    %dot_general3A_133 = tpu.matmul %convert_element_type3A, %convert_element_type3A_131, %dot_general3A_132 {dimension_numbers = #tpu.dot_dimension_numbers<[1], [0], [0], [1], [0, 0, 1, 1], [], []>, transpose_lhs_hint = false} : vector<1000x128xbf16>, vector<128x128xbf16>, vector<1000x128xf32> -> vector<1000x128xf32>
    %swap3A_134 = arith.constant 9 : index
    %swap3A_135 = arith.constant 0 : index
    %swap3A_136 = arith.constant 0 : index
    %swap3A_137 = vector.load %arg3[%swap3A_134, %swap3A_135, %swap3A_136] : memref<16x1000x128xf32, #tpu.memory_space<vmem>>, vector<1x1000x128xf32>
    %swap3A_138 = vector.shape_cast %swap3A_137 : vector<1x1000x128xf32> to vector<1000x128xf32>
    %swap3A_139 = vector.shape_cast %dot_general3A_133 : vector<1000x128xf32> to vector<1x1000x128xf32>
    tpu.vector_store %arg3[%swap3A_134, %swap3A_135, %swap3A_136], %swap3A_139 {strides = array<i32>} : memref<16x1000x128xf32, #tpu.memory_space<vmem>>, vector<1x1000x128xf32>,
    %get3A_140 = arith.constant 10 : index
    %get3A_141 = arith.constant 0 : index
    %get3A_142 = arith.constant 0 : index
    %get3A_143 = vector.load %arg2[%get3A_140, %get3A_141, %get3A_142] : memref<16x128x128xf32, #tpu.memory_space<vmem>>, vector<1x128x128xf32>
    %get3A_144 = vector.shape_cast %get3A_143 : vector<1x128x128xf32> to vector<128x128xf32>
    %convert_element_type3A_145 = arith.truncf %get3A_144 : vector<128x128xf32> to vector<128x128xbf16>
    %dot_general3A_146 = arith.constant dense<0.000000e+00> : vector<1000x128xf32>
    %dot_general3A_147 = tpu.matmul %convert_element_type3A, %convert_element_type3A_145, %dot_general3A_146 {dimension_numbers = #tpu.dot_dimension_numbers<[1], [0], [0], [1], [0, 0, 1, 1], [], []>, transpose_lhs_hint = false} : vector<1000x128xbf16>, vector<128x128xbf16>, vector<1000x128xf32> -> vector<1000x128xf32>
    %swap3A_148 = arith.constant 10 : index
    %swap3A_149 = arith.constant 0 : index
    %swap3A_150 = arith.constant 0 : index
    %swap3A_151 = vector.load %arg3[%swap3A_148, %swap3A_149, %swap3A_150] : memref<16x1000x128xf32, #tpu.memory_space<vmem>>, vector<1x1000x128xf32>
    %swap3A_152 = vector.shape_cast %swap3A_151 : vector<1x1000x128xf32> to vector<1000x128xf32>
    %swap3A_153 = vector.shape_cast %dot_general3A_147 : vector<1000x128xf32> to vector<1x1000x128xf32>
    tpu.vector_store %arg3[%swap3A_148, %swap3A_149, %swap3A_150], %swap3A_153 {strides = array<i32>} : memref<16x1000x128xf32, #tpu.memory_space<vmem>>, vector<1x1000x128xf32>,
    %get3A_154 = arith.constant 11 : index
    %get3A_155 = arith.constant 0 : index
    %get3A_156 = arith.constant 0 : index
    %get3A_157 = vector.load %arg2[%get3A_154, %get3A_155, %get3A_156] : memref<16x128x128xf32, #tpu.memory_space<vmem>>, vector<1x128x128xf32>
    %get3A_158 = vector.shape_cast %get3A_157 : vector<1x128x128xf32> to vector<128x128xf32>
    %convert_element_type3A_159 = arith.truncf %get3A_158 : vector<128x128xf32> to vector<128x128xbf16>
    %dot_general3A_160 = arith.constant dense<0.000000e+00> : vector<1000x128xf32>
    %dot_general3A_161 = tpu.matmul %convert_element_type3A, %convert_element_type3A_159, %dot_general3A_160 {dimension_numbers = #tpu.dot_dimension_numbers<[1], [0], [0], [1], [0, 0, 1, 1], [], []>, transpose_lhs_hint = false} : vector<1000x128xbf16>, vector<128x128xbf16>, vector<1000x128xf32> -> vector<1000x128xf32>
    %swap3A_162 = arith.constant 11 : index
    %swap3A_163 = arith.constant 0 : index
    %swap3A_164 = arith.constant 0 : index
    %swap3A_165 = vector.load %arg3[%swap3A_162, %swap3A_163, %swap3A_164] : memref<16x1000x128xf32, #tpu.memory_space<vmem>>, vector<1x1000x128xf32>
    %swap3A_166 = vector.shape_cast %swap3A_165 : vector<1x1000x128xf32> to vector<1000x128xf32>
    %swap3A_167 = vector.shape_cast %dot_general3A_161 : vector<1000x128xf32> to vector<1x1000x128xf32>
    tpu.vector_store %arg3[%swap3A_162, %swap3A_163, %swap3A_164], %swap3A_167 {strides = array<i32>} : memref<16x1000x128xf32, #tpu.memory_space<vmem>>, vector<1x1000x128xf32>,
    %get3A_168 = arith.constant 12 : index
    %get3A_169 = arith.constant 0 : index
    %get3A_170 = arith.constant 0 : index
    %get3A_171 = vector.load %arg2[%get3A_168, %get3A_169, %get3A_170] : memref<16x128x128xf32, #tpu.memory_space<vmem>>, vector<1x128x128xf32>
    %get3A_172 = vector.shape_cast %get3A_171 : vector<1x128x128xf32> to vector<128x128xf32>
    %convert_element_type3A_173 = arith.truncf %get3A_172 : vector<128x128xf32> to vector<128x128xbf16>
    %dot_general3A_174 = arith.constant dense<0.000000e+00> : vector<1000x128xf32>
    %dot_general3A_175 = tpu.matmul %convert_element_type3A, %convert_element_type3A_173, %dot_general3A_174 {dimension_numbers = #tpu.dot_dimension_numbers<[1], [0], [0], [1], [0, 0, 1, 1], [], []>, transpose_lhs_hint = false} : vector<1000x128xbf16>, vector<128x128xbf16>, vector<1000x128xf32> -> vector<1000x128xf32>
    %swap3A_176 = arith.constant 12 : index
    %swap3A_177 = arith.constant 0 : index
    %swap3A_178 = arith.constant 0 : index
    %swap3A_179 = vector.load %arg3[%swap3A_176, %swap3A_177, %swap3A_178] : memref<16x1000x128xf32, #tpu.memory_space<vmem>>, vector<1x1000x128xf32>
    %swap3A_180 = vector.shape_cast %swap3A_179 : vector<1x1000x128xf32> to vector<1000x128xf32>
    %swap3A_181 = vector.shape_cast %dot_general3A_175 : vector<1000x128xf32> to vector<1x1000x128xf32>
    tpu.vector_store %arg3[%swap3A_176, %swap3A_177, %swap3A_178], %swap3A_181 {strides = array<i32>} : memref<16x1000x128xf32, #tpu.memory_space<vmem>>, vector<1x1000x128xf32>,
    %get3A_182 = arith.constant 13 : index
    %get3A_183 = arith.constant 0 : index
    %get3A_184 = arith.constant 0 : index
    %get3A_185 = vector.load %arg2[%get3A_182, %get3A_183, %get3A_184] : memref<16x128x128xf32, #tpu.memory_space<vmem>>, vector<1x128x128xf32>
    %get3A_186 = vector.shape_cast %get3A_185 : vector<1x128x128xf32> to vector<128x128xf32>
    %convert_element_type3A_187 = arith.truncf %get3A_186 : vector<128x128xf32> to vector<128x128xbf16>
    %dot_general3A_188 = arith.constant dense<0.000000e+00> : vector<1000x128xf32>
    %dot_general3A_189 = tpu.matmul %convert_element_type3A, %convert_element_type3A_187, %dot_general3A_188 {dimension_numbers = #tpu.dot_dimension_numbers<[1], [0], [0], [1], [0, 0, 1, 1], [], []>, transpose_lhs_hint = false} : vector<1000x128xbf16>, vector<128x128xbf16>, vector<1000x128xf32> -> vector<1000x128xf32>
    %swap3A_190 = arith.constant 13 : index
    %swap3A_191 = arith.constant 0 : index
    %swap3A_192 = arith.constant 0 : index
    %swap3A_193 = vector.load %arg3[%swap3A_190, %swap3A_191, %swap3A_192] : memref<16x1000x128xf32, #tpu.memory_space<vmem>>, vector<1x1000x128xf32>
    %swap3A_194 = vector.shape_cast %swap3A_193 : vector<1x1000x128xf32> to vector<1000x128xf32>
    %swap3A_195 = vector.shape_cast %dot_general3A_189 : vector<1000x128xf32> to vector<1x1000x128xf32>
    tpu.vector_store %arg3[%swap3A_190, %swap3A_191, %swap3A_192], %swap3A_195 {strides = array<i32>} : memref<16x1000x128xf32, #tpu.memory_space<vmem>>, vector<1x1000x128xf32>,
    %get3A_196 = arith.constant 14 : index
    %get3A_197 = arith.constant 0 : index
    %get3A_198 = arith.constant 0 : index
    %get3A_199 = vector.load %arg2[%get3A_196, %get3A_197, %get3A_198] : memref<16x128x128xf32, #tpu.memory_space<vmem>>, vector<1x128x128xf32>
    %get3A_200 = vector.shape_cast %get3A_199 : vector<1x128x128xf32> to vector<128x128xf32>
    %convert_element_type3A_201 = arith.truncf %get3A_200 : vector<128x128xf32> to vector<128x128xbf16>
    %dot_general3A_202 = arith.constant dense<0.000000e+00> : vector<1000x128xf32>
    %dot_general3A_203 = tpu.matmul %convert_element_type3A, %convert_element_type3A_201, %dot_general3A_202 {dimension_numbers = #tpu.dot_dimension_numbers<[1], [0], [0], [1], [0, 0, 1, 1], [], []>, transpose_lhs_hint = false} : vector<1000x128xbf16>, vector<128x128xbf16>, vector<1000x128xf32> -> vector<1000x128xf32>
    %swap3A_204 = arith.constant 14 : index
    %swap3A_205 = arith.constant 0 : index
    %swap3A_206 = arith.constant 0 : index
    %swap3A_207 = vector.load %arg3[%swap3A_204, %swap3A_205, %swap3A_206] : memref<16x1000x128xf32, #tpu.memory_space<vmem>>, vector<1x1000x128xf32>
    %swap3A_208 = vector.shape_cast %swap3A_207 : vector<1x1000x128xf32> to vector<1000x128xf32>
    %swap3A_209 = vector.shape_cast %dot_general3A_203 : vector<1000x128xf32> to vector<1x1000x128xf32>
    tpu.vector_store %arg3[%swap3A_204, %swap3A_205, %swap3A_206], %swap3A_209 {strides = array<i32>} : memref<16x1000x128xf32, #tpu.memory_space<vmem>>, vector<1x1000x128xf32>,
    %get3A_210 = arith.constant 15 : index
    %get3A_211 = arith.constant 0 : index
    %get3A_212 = arith.constant 0 : index
    %get3A_213 = vector.load %arg2[%get3A_210, %get3A_211, %get3A_212] : memref<16x128x128xf32, #tpu.memory_space<vmem>>, vector<1x128x128xf32>
    %get3A_214 = vector.shape_cast %get3A_213 : vector<1x128x128xf32> to vector<128x128xf32>
    %convert_element_type3A_215 = arith.truncf %get3A_214 : vector<128x128xf32> to vector<128x128xbf16>
    %dot_general3A_216 = arith.constant dense<0.000000e+00> : vector<1000x128xf32>
    %dot_general3A_217 = tpu.matmul %convert_element_type3A, %convert_element_type3A_215, %dot_general3A_216 {dimension_numbers = #tpu.dot_dimension_numbers<[1], [0], [0], [1], [0, 0, 1, 1], [], []>, transpose_lhs_hint = false} : vector<1000x128xbf16>, vector<128x128xbf16>, vector<1000x128xf32> -> vector<1000x128xf32>
    %swap3A_218 = arith.constant 15 : index
    %swap3A_219 = arith.constant 0 : index
    %swap3A_220 = arith.constant 0 : index
    %swap3A_221 = vector.load %arg3[%swap3A_218, %swap3A_219, %swap3A_220] : memref<16x1000x128xf32, #tpu.memory_space<vmem>>, vector<1x1000x128xf32>
    %swap3A_222 = vector.shape_cast %swap3A_221 : vector<1x1000x128xf32> to vector<1000x128xf32>
    %swap3A_223 = vector.shape_cast %dot_general3A_217 : vector<1000x128xf32> to vector<1x1000x128xf32>
    tpu.vector_store %arg3[%swap3A_218, %swap3A_219, %swap3A_220], %swap3A_223 {strides = array<i32>} : memref<16x1000x128xf32, #tpu.memory_space<vmem>>, vector<1x1000x128xf32>,
    return
  }
  func.func @transform_0(%arg0: i32) -> (i32, i32) {
    %c0_i32 = arith.constant 0 : i32
    %c0_i32_0 = arith.constant 0 : i32
    return %arg0, %c0_i32 : i32, i32
  }
  func.func @transform_1(%arg0: i32) -> (i32, i32, i32) {
    %c0_i32 = arith.constant 0 : i32
    %c0_i32_0 = arith.constant 0 : i32
    %c0_i32_1 = arith.constant 0 : i32
    %c0_i32_2 = arith.constant 0 : i32
    return %c0_i32, %c0_i32_0, %c0_i32_1 : i32, i32, i32
  }
  func.func @transform_2(%arg0: i32) -> (i32, i32, i32) {
    %c0_i32 = arith.constant 0 : i32
    %c0_i32_0 = arith.constant 0 : i32
    %c0_i32_1 = arith.constant 0 : i32
    return %c0_i32, %arg0, %c0_i32_0 : i32, i32, i32
  }
}

module attributes {stable_mosaic.version = 14 : i64} {
  func.func @body(%arg0: i32, %arg1: memref<1000x128xf32, #tpu.memory_space<vmem>>, %arg2: memref<11x128x128xf32, #tpu.memory_space<vmem>>, %arg3: memref<11x1000x128xf32, #tpu.memory_space<vmem>>) attributes {dimension_semantics = [#tpu.dimension_semantics<arbitrary>], iteration_bounds = array<i64: 10>, scalar_prefetch = 0 : i64, scratch_operands = 0 : i64, tpu.core_type = #tpu.core_type<tc>, window_params = [{transform_indices = @transform_0, window_bounds = array<i64: 1000, 128>}, {pipeline_mode = #tpu.pipeline_mode<synchronous>, transform_indices = @transform_1, window_bounds = array<i64: 11, 128, 128>}, {transform_indices = @transform_2, window_bounds = array<i64: 11, 1000, 128>}]} {
    %get3A = arith.constant 0 : index
    %get3A_0 = arith.constant 0 : index
    %get3A_1 = vector.load %arg1[%get3A, %get3A_0] : memref<1000x128xf32, #tpu.memory_space<vmem>>, vector<1000x128xf32>
    %convert_element_type3A = arith.truncf %get3A_1 : vector<1000x128xf32> to vector<1000x128xbf16>
    %get3A_2 = arith.constant 0 : index
    %get3A_3 = arith.constant 0 : index
    %get3A_4 = arith.constant 0 : index
    %get3A_5 = vector.load %arg2[%get3A_2, %get3A_3, %get3A_4] : memref<11x128x128xf32, #tpu.memory_space<vmem>>, vector<1x128x128xf32>
    %get3A_6 = vector.shape_cast %get3A_5 : vector<1x128x128xf32> to vector<128x128xf32>
    %convert_element_type3A_7 = arith.truncf %get3A_6 : vector<128x128xf32> to vector<128x128xbf16>
    %dot_general3A = arith.constant dense<0.000000e+00> : vector<1000x128xf32>
    %dot_general3A_8 = tpu.matmul %convert_element_type3A, %convert_element_type3A_7, %dot_general3A {dimension_numbers = #tpu.dot_dimension_numbers<[1], [0], [0], [1], [0, 0, 1, 1], [], []>, transpose_lhs_hint = false} : vector<1000x128xbf16>, vector<128x128xbf16>, vector<1000x128xf32> -> vector<1000x128xf32>
    %swap3A = arith.constant 0 : index
    %swap3A_9 = arith.constant 0 : index
    %swap3A_10 = arith.constant 0 : index
    %swap3A_11 = vector.load %arg3[%swap3A, %swap3A_9, %swap3A_10] : memref<11x1000x128xf32, #tpu.memory_space<vmem>>, vector<1x1000x128xf32>
    %swap3A_12 = vector.shape_cast %swap3A_11 : vector<1x1000x128xf32> to vector<1000x128xf32>
    %swap3A_13 = vector.shape_cast %dot_general3A_8 : vector<1000x128xf32> to vector<1x1000x128xf32>
    tpu.vector_store %arg3[%swap3A, %swap3A_9, %swap3A_10], %swap3A_13 {strides = array<i32>} : memref<11x1000x128xf32, #tpu.memory_space<vmem>>, vector<1x1000x128xf32>,
    %get3A_14 = arith.constant 1 : index
    %get3A_15 = arith.constant 0 : index
    %get3A_16 = arith.constant 0 : index
    %get3A_17 = vector.load %arg2[%get3A_14, %get3A_15, %get3A_16] : memref<11x128x128xf32, #tpu.memory_space<vmem>>, vector<1x128x128xf32>
    %get3A_18 = vector.shape_cast %get3A_17 : vector<1x128x128xf32> to vector<128x128xf32>
    %convert_element_type3A_19 = arith.truncf %get3A_18 : vector<128x128xf32> to vector<128x128xbf16>
    %dot_general3A_20 = arith.constant dense<0.000000e+00> : vector<1000x128xf32>
    %dot_general3A_21 = tpu.matmul %convert_element_type3A, %convert_element_type3A_19, %dot_general3A_20 {dimension_numbers = #tpu.dot_dimension_numbers<[1], [0], [0], [1], [0, 0, 1, 1], [], []>, transpose_lhs_hint = false} : vector<1000x128xbf16>, vector<128x128xbf16>, vector<1000x128xf32> -> vector<1000x128xf32>
    %swap3A_22 = arith.constant 1 : index
    %swap3A_23 = arith.constant 0 : index
    %swap3A_24 = arith.constant 0 : index
    %swap3A_25 = vector.load %arg3[%swap3A_22, %swap3A_23, %swap3A_24] : memref<11x1000x128xf32, #tpu.memory_space<vmem>>, vector<1x1000x128xf32>
    %swap3A_26 = vector.shape_cast %swap3A_25 : vector<1x1000x128xf32> to vector<1000x128xf32>
    %swap3A_27 = vector.shape_cast %dot_general3A_21 : vector<1000x128xf32> to vector<1x1000x128xf32>
    tpu.vector_store %arg3[%swap3A_22, %swap3A_23, %swap3A_24], %swap3A_27 {strides = array<i32>} : memref<11x1000x128xf32, #tpu.memory_space<vmem>>, vector<1x1000x128xf32>,
    %get3A_28 = arith.constant 2 : index
    %get3A_29 = arith.constant 0 : index
    %get3A_30 = arith.constant 0 : index
    %get3A_31 = vector.load %arg2[%get3A_28, %get3A_29, %get3A_30] : memref<11x128x128xf32, #tpu.memory_space<vmem>>, vector<1x128x128xf32>
    %get3A_32 = vector.shape_cast %get3A_31 : vector<1x128x128xf32> to vector<128x128xf32>
    %convert_element_type3A_33 = arith.truncf %get3A_32 : vector<128x128xf32> to vector<128x128xbf16>
    %dot_general3A_34 = arith.constant dense<0.000000e+00> : vector<1000x128xf32>
    %dot_general3A_35 = tpu.matmul %convert_element_type3A, %convert_element_type3A_33, %dot_general3A_34 {dimension_numbers = #tpu.dot_dimension_numbers<[1], [0], [0], [1], [0, 0, 1, 1], [], []>, transpose_lhs_hint = false} : vector<1000x128xbf16>, vector<128x128xbf16>, vector<1000x128xf32> -> vector<1000x128xf32>
    %swap3A_36 = arith.constant 2 : index
    %swap3A_37 = arith.constant 0 : index
    %swap3A_38 = arith.constant 0 : index
    %swap3A_39 = vector.load %arg3[%swap3A_36, %swap3A_37, %swap3A_38] : memref<11x1000x128xf32, #tpu.memory_space<vmem>>, vector<1x1000x128xf32>
    %swap3A_40 = vector.shape_cast %swap3A_39 : vector<1x1000x128xf32> to vector<1000x128xf32>
    %swap3A_41 = vector.shape_cast %dot_general3A_35 : vector<1000x128xf32> to vector<1x1000x128xf32>
    tpu.vector_store %arg3[%swap3A_36, %swap3A_37, %swap3A_38], %swap3A_41 {strides = array<i32>} : memref<11x1000x128xf32, #tpu.memory_space<vmem>>, vector<1x1000x128xf32>,
    %get3A_42 = arith.constant 3 : index
    %get3A_43 = arith.constant 0 : index
    %get3A_44 = arith.constant 0 : index
    %get3A_45 = vector.load %arg2[%get3A_42, %get3A_43, %get3A_44] : memref<11x128x128xf32, #tpu.memory_space<vmem>>, vector<1x128x128xf32>
    %get3A_46 = vector.shape_cast %get3A_45 : vector<1x128x128xf32> to vector<128x128xf32>
    %convert_element_type3A_47 = arith.truncf %get3A_46 : vector<128x128xf32> to vector<128x128xbf16>
    %dot_general3A_48 = arith.constant dense<0.000000e+00> : vector<1000x128xf32>
    %dot_general3A_49 = tpu.matmul %convert_element_type3A, %convert_element_type3A_47, %dot_general3A_48 {dimension_numbers = #tpu.dot_dimension_numbers<[1], [0], [0], [1], [0, 0, 1, 1], [], []>, transpose_lhs_hint = false} : vector<1000x128xbf16>, vector<128x128xbf16>, vector<1000x128xf32> -> vector<1000x128xf32>
    %swap3A_50 = arith.constant 3 : index
    %swap3A_51 = arith.constant 0 : index
    %swap3A_52 = arith.constant 0 : index
    %swap3A_53 = vector.load %arg3[%swap3A_50, %swap3A_51, %swap3A_52] : memref<11x1000x128xf32, #tpu.memory_space<vmem>>, vector<1x1000x128xf32>
    %swap3A_54 = vector.shape_cast %swap3A_53 : vector<1x1000x128xf32> to vector<1000x128xf32>
    %swap3A_55 = vector.shape_cast %dot_general3A_49 : vector<1000x128xf32> to vector<1x1000x128xf32>
    tpu.vector_store %arg3[%swap3A_50, %swap3A_51, %swap3A_52], %swap3A_55 {strides = array<i32>} : memref<11x1000x128xf32, #tpu.memory_space<vmem>>, vector<1x1000x128xf32>,
    %get3A_56 = arith.constant 4 : index
    %get3A_57 = arith.constant 0 : index
    %get3A_58 = arith.constant 0 : index
    %get3A_59 = vector.load %arg2[%get3A_56, %get3A_57, %get3A_58] : memref<11x128x128xf32, #tpu.memory_space<vmem>>, vector<1x128x128xf32>
    %get3A_60 = vector.shape_cast %get3A_59 : vector<1x128x128xf32> to vector<128x128xf32>
    %convert_element_type3A_61 = arith.truncf %get3A_60 : vector<128x128xf32> to vector<128x128xbf16>
    %dot_general3A_62 = arith.constant dense<0.000000e+00> : vector<1000x128xf32>
    %dot_general3A_63 = tpu.matmul %convert_element_type3A, %convert_element_type3A_61, %dot_general3A_62 {dimension_numbers = #tpu.dot_dimension_numbers<[1], [0], [0], [1], [0, 0, 1, 1], [], []>, transpose_lhs_hint = false} : vector<1000x128xbf16>, vector<128x128xbf16>, vector<1000x128xf32> -> vector<1000x128xf32>
    %swap3A_64 = arith.constant 4 : index
    %swap3A_65 = arith.constant 0 : index
    %swap3A_66 = arith.constant 0 : index
    %swap3A_67 = vector.load %arg3[%swap3A_64, %swap3A_65, %swap3A_66] : memref<11x1000x128xf32, #tpu.memory_space<vmem>>, vector<1x1000x128xf32>
    %swap3A_68 = vector.shape_cast %swap3A_67 : vector<1x1000x128xf32> to vector<1000x128xf32>
    %swap3A_69 = vector.shape_cast %dot_general3A_63 : vector<1000x128xf32> to vector<1x1000x128xf32>
    tpu.vector_store %arg3[%swap3A_64, %swap3A_65, %swap3A_66], %swap3A_69 {strides = array<i32>} : memref<11x1000x128xf32, #tpu.memory_space<vmem>>, vector<1x1000x128xf32>,
    %get3A_70 = arith.constant 5 : index
    %get3A_71 = arith.constant 0 : index
    %get3A_72 = arith.constant 0 : index
    %get3A_73 = vector.load %arg2[%get3A_70, %get3A_71, %get3A_72] : memref<11x128x128xf32, #tpu.memory_space<vmem>>, vector<1x128x128xf32>
    %get3A_74 = vector.shape_cast %get3A_73 : vector<1x128x128xf32> to vector<128x128xf32>
    %convert_element_type3A_75 = arith.truncf %get3A_74 : vector<128x128xf32> to vector<128x128xbf16>
    %dot_general3A_76 = arith.constant dense<0.000000e+00> : vector<1000x128xf32>
    %dot_general3A_77 = tpu.matmul %convert_element_type3A, %convert_element_type3A_75, %dot_general3A_76 {dimension_numbers = #tpu.dot_dimension_numbers<[1], [0], [0], [1], [0, 0, 1, 1], [], []>, transpose_lhs_hint = false} : vector<1000x128xbf16>, vector<128x128xbf16>, vector<1000x128xf32> -> vector<1000x128xf32>
    %swap3A_78 = arith.constant 5 : index
    %swap3A_79 = arith.constant 0 : index
    %swap3A_80 = arith.constant 0 : index
    %swap3A_81 = vector.load %arg3[%swap3A_78, %swap3A_79, %swap3A_80] : memref<11x1000x128xf32, #tpu.memory_space<vmem>>, vector<1x1000x128xf32>
    %swap3A_82 = vector.shape_cast %swap3A_81 : vector<1x1000x128xf32> to vector<1000x128xf32>
    %swap3A_83 = vector.shape_cast %dot_general3A_77 : vector<1000x128xf32> to vector<1x1000x128xf32>
    tpu.vector_store %arg3[%swap3A_78, %swap3A_79, %swap3A_80], %swap3A_83 {strides = array<i32>} : memref<11x1000x128xf32, #tpu.memory_space<vmem>>, vector<1x1000x128xf32>,
    %get3A_84 = arith.constant 6 : index
    %get3A_85 = arith.constant 0 : index
    %get3A_86 = arith.constant 0 : index
    %get3A_87 = vector.load %arg2[%get3A_84, %get3A_85, %get3A_86] : memref<11x128x128xf32, #tpu.memory_space<vmem>>, vector<1x128x128xf32>
    %get3A_88 = vector.shape_cast %get3A_87 : vector<1x128x128xf32> to vector<128x128xf32>
    %convert_element_type3A_89 = arith.truncf %get3A_88 : vector<128x128xf32> to vector<128x128xbf16>
    %dot_general3A_90 = arith.constant dense<0.000000e+00> : vector<1000x128xf32>
    %dot_general3A_91 = tpu.matmul %convert_element_type3A, %convert_element_type3A_89, %dot_general3A_90 {dimension_numbers = #tpu.dot_dimension_numbers<[1], [0], [0], [1], [0, 0, 1, 1], [], []>, transpose_lhs_hint = false} : vector<1000x128xbf16>, vector<128x128xbf16>, vector<1000x128xf32> -> vector<1000x128xf32>
    %swap3A_92 = arith.constant 6 : index
    %swap3A_93 = arith.constant 0 : index
    %swap3A_94 = arith.constant 0 : index
    %swap3A_95 = vector.load %arg3[%swap3A_92, %swap3A_93, %swap3A_94] : memref<11x1000x128xf32, #tpu.memory_space<vmem>>, vector<1x1000x128xf32>
    %swap3A_96 = vector.shape_cast %swap3A_95 : vector<1x1000x128xf32> to vector<1000x128xf32>
    %swap3A_97 = vector.shape_cast %dot_general3A_91 : vector<1000x128xf32> to vector<1x1000x128xf32>
    tpu.vector_store %arg3[%swap3A_92, %swap3A_93, %swap3A_94], %swap3A_97 {strides = array<i32>} : memref<11x1000x128xf32, #tpu.memory_space<vmem>>, vector<1x1000x128xf32>,
    %get3A_98 = arith.constant 7 : index
    %get3A_99 = arith.constant 0 : index
    %get3A_100 = arith.constant 0 : index
    %get3A_101 = vector.load %arg2[%get3A_98, %get3A_99, %get3A_100] : memref<11x128x128xf32, #tpu.memory_space<vmem>>, vector<1x128x128xf32>
    %get3A_102 = vector.shape_cast %get3A_101 : vector<1x128x128xf32> to vector<128x128xf32>
    %convert_element_type3A_103 = arith.truncf %get3A_102 : vector<128x128xf32> to vector<128x128xbf16>
    %dot_general3A_104 = arith.constant dense<0.000000e+00> : vector<1000x128xf32>
    %dot_general3A_105 = tpu.matmul %convert_element_type3A, %convert_element_type3A_103, %dot_general3A_104 {dimension_numbers = #tpu.dot_dimension_numbers<[1], [0], [0], [1], [0, 0, 1, 1], [], []>, transpose_lhs_hint = false} : vector<1000x128xbf16>, vector<128x128xbf16>, vector<1000x128xf32> -> vector<1000x128xf32>
    %swap3A_106 = arith.constant 7 : index
    %swap3A_107 = arith.constant 0 : index
    %swap3A_108 = arith.constant 0 : index
    %swap3A_109 = vector.load %arg3[%swap3A_106, %swap3A_107, %swap3A_108] : memref<11x1000x128xf32, #tpu.memory_space<vmem>>, vector<1x1000x128xf32>
    %swap3A_110 = vector.shape_cast %swap3A_109 : vector<1x1000x128xf32> to vector<1000x128xf32>
    %swap3A_111 = vector.shape_cast %dot_general3A_105 : vector<1000x128xf32> to vector<1x1000x128xf32>
    tpu.vector_store %arg3[%swap3A_106, %swap3A_107, %swap3A_108], %swap3A_111 {strides = array<i32>} : memref<11x1000x128xf32, #tpu.memory_space<vmem>>, vector<1x1000x128xf32>,
    %get3A_112 = arith.constant 8 : index
    %get3A_113 = arith.constant 0 : index
    %get3A_114 = arith.constant 0 : index
    %get3A_115 = vector.load %arg2[%get3A_112, %get3A_113, %get3A_114] : memref<11x128x128xf32, #tpu.memory_space<vmem>>, vector<1x128x128xf32>
    %get3A_116 = vector.shape_cast %get3A_115 : vector<1x128x128xf32> to vector<128x128xf32>
    %convert_element_type3A_117 = arith.truncf %get3A_116 : vector<128x128xf32> to vector<128x128xbf16>
    %dot_general3A_118 = arith.constant dense<0.000000e+00> : vector<1000x128xf32>
    %dot_general3A_119 = tpu.matmul %convert_element_type3A, %convert_element_type3A_117, %dot_general3A_118 {dimension_numbers = #tpu.dot_dimension_numbers<[1], [0], [0], [1], [0, 0, 1, 1], [], []>, transpose_lhs_hint = false} : vector<1000x128xbf16>, vector<128x128xbf16>, vector<1000x128xf32> -> vector<1000x128xf32>
    %swap3A_120 = arith.constant 8 : index
    %swap3A_121 = arith.constant 0 : index
    %swap3A_122 = arith.constant 0 : index
    %swap3A_123 = vector.load %arg3[%swap3A_120, %swap3A_121, %swap3A_122] : memref<11x1000x128xf32, #tpu.memory_space<vmem>>, vector<1x1000x128xf32>
    %swap3A_124 = vector.shape_cast %swap3A_123 : vector<1x1000x128xf32> to vector<1000x128xf32>
    %swap3A_125 = vector.shape_cast %dot_general3A_119 : vector<1000x128xf32> to vector<1x1000x128xf32>
    tpu.vector_store %arg3[%swap3A_120, %swap3A_121, %swap3A_122], %swap3A_125 {strides = array<i32>} : memref<11x1000x128xf32, #tpu.memory_space<vmem>>, vector<1x1000x128xf32>,
    %get3A_126 = arith.constant 9 : index
    %get3A_127 = arith.constant 0 : index
    %get3A_128 = arith.constant 0 : index
    %get3A_129 = vector.load %arg2[%get3A_126, %get3A_127, %get3A_128] : memref<11x128x128xf32, #tpu.memory_space<vmem>>, vector<1x128x128xf32>
    %get3A_130 = vector.shape_cast %get3A_129 : vector<1x128x128xf32> to vector<128x128xf32>
    %convert_element_type3A_131 = arith.truncf %get3A_130 : vector<128x128xf32> to vector<128x128xbf16>
    %dot_general3A_132 = arith.constant dense<0.000000e+00> : vector<1000x128xf32>
    %dot_general3A_133 = tpu.matmul %convert_element_type3A, %convert_element_type3A_131, %dot_general3A_132 {dimension_numbers = #tpu.dot_dimension_numbers<[1], [0], [0], [1], [0, 0, 1, 1], [], []>, transpose_lhs_hint = false} : vector<1000x128xbf16>, vector<128x128xbf16>, vector<1000x128xf32> -> vector<1000x128xf32>
    %swap3A_134 = arith.constant 9 : index
    %swap3A_135 = arith.constant 0 : index
    %swap3A_136 = arith.constant 0 : index
    %swap3A_137 = vector.load %arg3[%swap3A_134, %swap3A_135, %swap3A_136] : memref<11x1000x128xf32, #tpu.memory_space<vmem>>, vector<1x1000x128xf32>
    %swap3A_138 = vector.shape_cast %swap3A_137 : vector<1x1000x128xf32> to vector<1000x128xf32>
    %swap3A_139 = vector.shape_cast %dot_general3A_133 : vector<1000x128xf32> to vector<1x1000x128xf32>
    tpu.vector_store %arg3[%swap3A_134, %swap3A_135, %swap3A_136], %swap3A_139 {strides = array<i32>} : memref<11x1000x128xf32, #tpu.memory_space<vmem>>, vector<1x1000x128xf32>,
    %get3A_140 = arith.constant 10 : index
    %get3A_141 = arith.constant 0 : index
    %get3A_142 = arith.constant 0 : index
    %get3A_143 = vector.load %arg2[%get3A_140, %get3A_141, %get3A_142] : memref<11x128x128xf32, #tpu.memory_space<vmem>>, vector<1x128x128xf32>
    %get3A_144 = vector.shape_cast %get3A_143 : vector<1x128x128xf32> to vector<128x128xf32>
    %convert_element_type3A_145 = arith.truncf %get3A_144 : vector<128x128xf32> to vector<128x128xbf16>
    %dot_general3A_146 = arith.constant dense<0.000000e+00> : vector<1000x128xf32>
    %dot_general3A_147 = tpu.matmul %convert_element_type3A, %convert_element_type3A_145, %dot_general3A_146 {dimension_numbers = #tpu.dot_dimension_numbers<[1], [0], [0], [1], [0, 0, 1, 1], [], []>, transpose_lhs_hint = false} : vector<1000x128xbf16>, vector<128x128xbf16>, vector<1000x128xf32> -> vector<1000x128xf32>
    %swap3A_148 = arith.constant 10 : index
    %swap3A_149 = arith.constant 0 : index
    %swap3A_150 = arith.constant 0 : index
    %swap3A_151 = vector.load %arg3[%swap3A_148, %swap3A_149, %swap3A_150] : memref<11x1000x128xf32, #tpu.memory_space<vmem>>, vector<1x1000x128xf32>
    %swap3A_152 = vector.shape_cast %swap3A_151 : vector<1x1000x128xf32> to vector<1000x128xf32>
    %swap3A_153 = vector.shape_cast %dot_general3A_147 : vector<1000x128xf32> to vector<1x1000x128xf32>
    tpu.vector_store %arg3[%swap3A_148, %swap3A_149, %swap3A_150], %swap3A_153 {strides = array<i32>} : memref<11x1000x128xf32, #tpu.memory_space<vmem>>, vector<1x1000x128xf32>,
    return
  }
  func.func @transform_0(%arg0: i32) -> (i32, i32) {
    %c0_i32 = arith.constant 0 : i32
    %c0_i32_0 = arith.constant 0 : i32
    return %arg0, %c0_i32 : i32, i32
  }
  func.func @transform_1(%arg0: i32) -> (i32, i32, i32) {
    %c0_i32 = arith.constant 0 : i32
    %c0_i32_0 = arith.constant 0 : i32
    %c0_i32_1 = arith.constant 0 : i32
    %c0_i32_2 = arith.constant 0 : i32
    return %c0_i32, %c0_i32_0, %c0_i32_1 : i32, i32, i32
  }
  func.func @transform_2(%arg0: i32) -> (i32, i32, i32) {
    %c0_i32 = arith.constant 0 : i32
    %c0_i32_0 = arith.constant 0 : i32
    %c0_i32_1 = arith.constant 0 : i32
    return %c0_i32, %arg0, %c0_i32_0 : i32, i32, i32
  }
}

module attributes {stable_mosaic.version = 14 : i64} {
  func.func @body(%arg0: i32, %arg1: memref<2x2000x128xf32, #tpu.memory_space<vmem>>, %arg2: memref<2x2000x128xf32, #tpu.memory_space<vmem>>, %arg3: memref<2000x128xf32, #tpu.memory_space<vmem>>) attributes {dimension_semantics = [#tpu.dimension_semantics<arbitrary>], iteration_bounds = array<i64: 5>, scalar_prefetch = 0 : i64, scratch_operands = 0 : i64, tpu.core_type = #tpu.core_type<tc>, window_params = [{transform_indices = @transform_0, window_bounds = array<i64: 2, 2000, 128>}, {transform_indices = @transform_1, window_bounds = array<i64: 2, 2000, 128>}, {transform_indices = @transform_2, window_bounds = array<i64: 2000, 128>}]} {
    %get3A = arith.constant 0 : index
    %get3A_0 = arith.constant 0 : index
    %get3A_1 = arith.constant 0 : index
    %get3A_2 = vector.load %arg1[%get3A, %get3A_0, %get3A_1] : memref<2x2000x128xf32, #tpu.memory_space<vmem>>, vector<1x2000x128xf32>
    %get3A_3 = vector.shape_cast %get3A_2 : vector<1x2000x128xf32> to vector<2000x128xf32>
    %get3A_4 = arith.constant 1 : index
    %get3A_5 = arith.constant 0 : index
    %get3A_6 = arith.constant 0 : index
    %get3A_7 = vector.load %arg1[%get3A_4, %get3A_5, %get3A_6] : memref<2x2000x128xf32, #tpu.memory_space<vmem>>, vector<1x2000x128xf32>
    %get3A_8 = vector.shape_cast %get3A_7 : vector<1x2000x128xf32> to vector<2000x128xf32>
    %add3A = arith.addf %get3A_3, %get3A_8 : vector<2000x128xf32>
    %get3A_9 = arith.constant 0 : index
    %get3A_10 = arith.constant 0 : index
    %get3A_11 = arith.constant 0 : index
    %get3A_12 = vector.load %arg2[%get3A_9, %get3A_10, %get3A_11] : memref<2x2000x128xf32, #tpu.memory_space<vmem>>, vector<1x2000x128xf32>
    %get3A_13 = vector.shape_cast %get3A_12 : vector<1x2000x128xf32> to vector<2000x128xf32>
    %get3A_14 = arith.constant 1 : index
    %get3A_15 = arith.constant 0 : index
    %get3A_16 = arith.constant 0 : index
    %get3A_17 = vector.load %arg2[%get3A_14, %get3A_15, %get3A_16] : memref<2x2000x128xf32, #tpu.memory_space<vmem>>, vector<1x2000x128xf32>
    %get3A_18 = vector.shape_cast %get3A_17 : vector<1x2000x128xf32> to vector<2000x128xf32>
    %add3A_19 = arith.addf %get3A_13, %get3A_18 : vector<2000x128xf32>
    %add3A_20 = arith.addf %add3A, %add3A_19 : vector<2000x128xf32>
    %swap3A = arith.constant 0 : index
    %swap3A_21 = arith.constant 0 : index
    %swap3A_22 = vector.load %arg3[%swap3A, %swap3A_21] : memref<2000x128xf32, #tpu.memory_space<vmem>>, vector<2000x128xf32>
    tpu.vector_store %arg3[%swap3A, %swap3A_21], %add3A_20 {strides = array<i32>} : memref<2000x128xf32, #tpu.memory_space<vmem>>, vector<2000x128xf32>,
    return
  }
  func.func @transform_0(%arg0: i32) -> (i32, i32, i32) {
    %c0_i32 = arith.constant 0 : i32
    %c0_i32_0 = arith.constant 0 : i32
    %c0_i32_1 = arith.constant 0 : i32
    return %c0_i32, %arg0, %c0_i32_0 : i32, i32, i32
  }
  func.func @transform_1(%arg0: i32) -> (i32, i32, i32) {
    %c0_i32 = arith.constant 0 : i32
    %c0_i32_0 = arith.constant 0 : i32
    %c0_i32_1 = arith.constant 0 : i32
    return %c0_i32, %arg0, %c0_i32_0 : i32, i32, i32
  }
  func.func @transform_2(%arg0: i32) -> (i32, i32) {
    %c0_i32 = arith.constant 0 : i32
    %c0_i32_0 = arith.constant 0 : i32
    return %arg0, %c0_i32 : i32, i32
  }
}

</mosaic_0001>

<sc_bundles>
// kernel: kernel.11.cloned.1.call-start
scs
__scs_entry_jumppad:
0x0: {  	(pc) =	sbr.rel $0x88, $3  }
0x1: {  	(tag) =	ssettag $0x0;
	lr =	simm.s32 $0x1  }
0x2: {  	[smem:$0x3F9D] =	sst lr;
	_ =	strace $0xD0000000  }
0x3: {  	_ = 	snop  }
0x4: {  	_ = 	snop  }
0x5: {  	_ = 	snop  }
0x6: {  	_ = 	snop  }
0x7: {  	_ = 	snop  }
__scs_overlays_trampoline_lowered:
0x8: {  	[smem:$0x3FAC] =	sst s0  }
0x9: {  	[smem:$0x3FAD] =	sst s1  }
0xa: {  	[smem:$0x3FAE] =	sst s2  }
0xb: {  	[smem:$0x3FAF] =	sst s3  }
0xc: {  	[smem:$0x3FB0] =	sst s4  }
0xd: {  	[smem:$0x3FB1] =	sst s5  }
0xe: {  	[smem:$0x3FB2] =	sst s6  }
0xf: {  	[smem:$0x3FB3] =	sst s7  }
0x10: {  	[smem:$0x3FB4] =	sst s8  }
0x11: {  	[smem:$0x3FB5] =	sst s9;
	s0 =	simm.s32 @!p0 $0x0  }
0x12: {  	s1 =	sld [smem:$0x3F9B];
	s0 =	simm.s32 @p0 $0x1  }
0x13: {  	[smem:$0x3FB6] =	sst s0;
	s0 =	simm.s32 @!p1 $0x0  }
0x14: {  	s2 =	sld [smem:$0x3F9A];
	s0 =	simm.s32 @p1 $0x1  }
0x15: {  	[smem:$0x3FB7] =	sst s0;
	s0 =	simm.s32 @!p2 $0x0  }
0x16: {  	s3 =	sld [smem:$0x3FDB];
	s0 =	simm.s32 @p2 $0x1  }
0x17: {  	s4 =	simm.s32 $0x1BF5;
	[smem:$0x3FB9] =	sst s0  }
0x18: {  	s0 =	sld [smem:$0x3F9C];
	_ =	swait.ge [sflag:s4], $0x0  }
0x19: {  	s7 =	sld [smem:$0x3F9D]  }
0x1a: {  	s8 =	sadd.s32 $0xFFFFE003, lr  }
0x1b: {  	s9 =	sadd.s32 $0xFFFFFEF7, lr;
	s5 =	simm.s32 $0xFFFFFFFF;
	p2 =	slt.u32 s8, $0xFFFFF086  }
0x1c: {  	p1 =	slt.u32 s9, $0xF7A;
	s5 =	simm.s32 @!p2 $0x0  }
0x1d: {  	s5 =	simm.s32 @p1 $0x1;
	p0 =	seq.s32 s7, s2  }
0x1e: {  	s7 =	smul.u32 @!p0 $0xF7A, s2;
	p2 =	seq.s32 @!p0 s5, $0x0  }
0x1f: {  	s9 =	smul.u32 $0xF7A, s1;
	s8 =	simm.s32 @!p0 $0x1BF5;
	p2 =	por !p2, p0  }
0x20: {  	[sflag:s8] =	ssyncset.s32 @!p0 $0xFFFFF086;
	s6 =	sadd.s32 @!p0 s3, s7;
	s7 =	simm.s32 @!p0 $0x108  }
0x21: {  	s3 =	sadd.s32 s3, s9;
	s6 =	sadd.s32 @!p0 $0x88, s6;
	s7 =	simm.s32 @p2 $0x1082  }
0x22: {  	[simem:s7], [sflag:s8] =	dma.local @!p0 [hbm:s6], $0xF7A  }
0x23: {  	s9 =	sor.u32 $0xD0000000, s2;
	s6 =	simm.s32 $0x108;
	_ =	swait.ge @!p0 [sflag:s8], $0x0  }
0x24: {  	s3 =	sadd.s32 $0x88, s3;
	s6 =	simm.s32 @!p1 $0x1082;
	[sflag:s4] =	ssyncset.s32 $0xFFFFF086  }
0x25: {  	[simem:s6], [sflag:s4] =	dma.local [hbm:s3], $0xF7A  }
0x26: {  	[smem:$0x3F9D] =	sst s1;
	(tag) =	ssettag s2;
	_ =	strace s9  }
0x27: {  	s1 =	sld [smem:$0x3FAD]  }
0x28: {  	s2 =	sld [smem:$0x3FAE]  }
0x29: {  	s4 =	sld [smem:$0x3FB0]  }
0x2a: {  	p0 =	seq.s32 s5, $0x0;
	s5 =	sld [smem:$0x3FB1]  }
0x2b: {  	s6 =	sld [smem:$0x3FB2]  }
0x2c: {  	s7 =	sld [smem:$0x3FB3]  }
0x2d: {  	s3 =	simm.s32 $0x108;
	s8 =	sld [smem:$0x3FB4]  }
0x2e: {  	s3 =	simm.s32 @!p0 $0x1082;
	s9 =	sld [smem:$0x3FB5]  }
0x2f: {  	lr =	sadd.s32 s0, s3;
	s0 =	sld [smem:$0x3FAC]  }
0x30: {  	s3 =	sld [smem:$0x3FAF]  }
0x31: {  	[smem:$0x3FB8] =	sst s10  }
0x32: {  	s10 =	sld [smem:$0x3FB6];
	_ =	sdelay $0x3  }
0x33: {  	p0 =	seq.s32 s10, $0x1;
	s10 =	sld [smem:$0x3FB8];
	_ =	sdelay $0x3  }
0x34: {  	[smem:$0x3FB8] =	sst s10  }
0x35: {  	s10 =	sld [smem:$0x3FB7];
	_ =	sdelay $0x3  }
0x36: {  	p1 =	seq.s32 s10, $0x1;
	s10 =	sld [smem:$0x3FB8];
	_ =	sdelay $0x3  }
0x37: {  	[smem:$0x3FB8] =	sst s10  }
0x38: {  	s10 =	sld [smem:$0x3FB9]  }
0x39: {  	_ = 	snop;
	(pc) =	sbr.ind lr, $3  }
0x3a: {  	_ = 	snop  }
0x3b: {  	_ = 	snop  }
0x3c: {  	p2 =	seq.s32 s10, $0x1;
	s10 =	sld [smem:$0x3FB8]  }
0x3d: {  	_ =	shalt  }
0x3e: {  	_ =	shalt  }
0x3f: {  	_ =	shalt  }
0x40: {  	_ =	shalt  }
0x41: {  	_ =	shalt  }
0x42: {  	_ =	shalt  }
0x43: {  	_ =	shalt  }
0x44: {  	_ =	shalt  }
0x45: {  	_ =	shalt  }
0x46: {  	_ =	shalt  }
0x47: {  	_ =	shalt  }
0x48: {  	_ =	shalt  }
0x49: {  	_ =	shalt  }
0x4a: {  	_ =	shalt  }
0x4b: {  	_ =	shalt  }
0x4c: {  	_ =	shalt  }
0x4d: {  	_ =	shalt  }
0x4e: {  	_ =	shalt  }
0x4f: {  	_ =	shalt  }
0x50: {  	_ =	shalt  }
0x51: {  	_ =	shalt  }
0x52: {  	_ =	shalt  }
0x53: {  	_ =	shalt  }
0x54: {  	_ =	shalt  }
0x55: {  	_ =	shalt  }
0x56: {  	_ =	shalt  }
0x57: {  	_ =	shalt  }
0x58: {  	_ =	shalt  }
0x59: {  	_ =	shalt  }
0x5a: {  	_ =	shalt  }
0x5b: {  	_ =	shalt  }
0x5c: {  	_ =	shalt  }
0x5d: {  	_ =	shalt  }
0x5e: {  	_ =	shalt  }
0x5f: {  	_ =	shalt  }
0x60: {  	_ =	shalt  }
0x61: {  	_ =	shalt  }
0x62: {  	_ =	shalt  }
0x63: {  	_ =	shalt  }
0x64: {  	_ =	shalt  }
0x65: {  	_ =	shalt  }
0x66: {  	_ =	shalt  }
0x67: {  	_ =	shalt  }
0x68: {  	_ =	shalt  }
0x69: {  	_ =	shalt  }
0x6a: {  	_ =	shalt  }
0x6b: {  	_ =	shalt  }
0x6c: {  	_ =	shalt  }
0x6d: {  	_ =	shalt  }
0x6e: {  	_ =	shalt  }
0x6f: {  	_ =	shalt  }
0x70: {  	_ =	shalt  }
0x71: {  	_ =	shalt  }
0x72: {  	_ =	shalt  }
0x73: {  	_ =	shalt  }
0x74: {  	_ =	shalt  }
0x75: {  	_ =	shalt  }
0x76: {  	_ =	shalt  }
0x77: {  	_ =	shalt  }
0x78: {  	_ =	shalt  }
0x79: {  	_ =	shalt  }
0x7a: {  	_ =	shalt  }
0x7b: {  	_ =	shalt  }
0x7c: {  	_ =	shalt  }
0x7d: {  	_ =	shalt  }
0x7e: {  	_ =	shalt  }
0x7f: {  	_ =	shalt  }
0x80: {  	_ =	shalt  }
0x81: {  	_ =	shalt  }
0x82: {  	_ =	shalt  }
0x83: {  	_ =	shalt  }
0x84: {  	_ =	shalt  }
0x85: {  	_ =	shalt  }
0x86: {  	_ =	shalt  }
0x87: {  	_ =	shalt  }
.Lfunc_end0:
.L_simem_size_0:
called_computation.1_lowered:
.L_overlay_start_0:
0x88: {  	s2 =	sld [smem:$0x3FD9]  }
0x89: {  	s3 =	sld [smem:$0x3FFE];
	_ =	sdelay $0x1  }
0x8a: {  	s1 =	srdreg.scid  }
0x8b: {  	s0 =	sand.u32 $0x1, s1  }
0x8c: {  	s17 =	sshll.u32 s0, $0xA;
	s2 =	sadd.s32 s3, s2  }
0x8d: {  	s2 =	sadd.s32 s2, s17  }
0x8e: {  	[smem:$0x3FC4] =	sst s2  }
0x8f: {  	_ = 	snop  }
0x90: {  	s2 =	sld [smem:$0x3FD0];
	(tm) =	ssettm $0x1  }
0x91: {  	s18 =	sld [smem:$0x3FFB];
	_ =	sdelay $0x3  }
0x92: {  	_ =	strace s18  }
0x93: {  	s3 =	sld [smem:$0x3FFC];
	_ =	sdelay $0x3  }
0x94: {  	_ =	strace s3  }
0x95: {  	s3 =	sld [smem:$0x3FFD];
	_ =	sdelay $0x3  }
0x96: {  	_ =	strace s3  }
0x97: {  	_ =	strace $0x8FFFFFFF  }
0x98: {  	s19 =	sld [smem:$0x3FDB];
	_ =	sdelay $0x1  }
0x99: {  	s4 =	simm.s32 $_scs_section_size  }
0x9a: {  	s5 =	simm.s32 $_size__tile_overlayer_lowered;
	s6 =	simm.s32 $_tile_overlayer_lowered  }
0x9b: {  	s22 =	simm.s32 $0x1BFF;
	s21 =	sshll.u32 s6, $0x1;
	s3 =	sadd.s32 s4, s19  }
0x9c: {  	s7 =	simm.s32 $0x0;
	s20 =	sshll.u32 s5, $0x1;
	s5 =	sadd.s32 s21, s3  }
0x9d: {  	[timem:s7], [sflag:s22] =	dma.local [hbm:s5], s20  }
0x9e: {  	_ =	swait.ge [sflag:s22], s20  }
0x9f: {  	s4 =	ssub.s32 $0x0, s20;
	[sflag:s22] =	ssyncset.done $0x0  }
0xa0: {  	[sflag:s22] =	ssyncadd.s32 s4;
	_ =	sdelay $0x1  }
0xa1: {  	s23 =	simm.s32 $0x1B8B  }
0xa2: {  	_ =	swait.ge [sflag:s23], $0x1  }
0xa3: {  	[sflag:s23] =	ssyncset.done $0x0  }
0xa4: {  	s25 =	simm.s32 $0x1B8E;
	s24 =	sld [smem:$0x3FFE];
	[sflag:s23] =	ssyncadd.s32 $0xFFFFFFFF  }
0xa5: {  	s26 =	simm.s32 $execute0_lowered;
	[smem:$0x3FD2] =	sst s25  }
0xa6: {  	s5 =	sshll.u32 s26, $0x1;
	_ =	strace $0x80000046;
	[dreg:$0x1] =	wrdreg $0xFFFFFFFF  }
0xa7: {  	s28 =	simm.s32 $_size_execute0_lowered;
	s3 =	sadd.s32 s3, s5;
	[dreg:$0x0] =	wrdreg $0x0  }
0xa8: {  	s5 =	sshll.u32 s28, $0x1;
	[dreg:$0x2] =	wrdreg s3  }
0xa9: {  	[dreg:$0x3] =	wrdreg s5  }
0xaa: {  	[dreg:$0x4] =	wrdreg $0xC0  }
0xab: {  	_ =	task [dreg:s7], $0x5FFFF  }
0xac: {  	[dreg:$0x1] =	wrdreg $0xFFFFFFFF  }
0xad: {  	[dreg:$0x0] =	wrdreg $0x60  }
0xae: {  	[dreg:$0x2] =	wrdreg s24  }
0xaf: {  	[dreg:$0x3] =	wrdreg s2  }
0xb0: {  	[dreg:$0x4] =	wrdreg $0xB0000  }
0xb1: {  	[dreg:$0x5] =	wrdreg $0xA  }
0xb2: {  	_ =	task.clear_ibuf [dreg:s7], $0x6FFFF;
	_ =	strace $0x90000046  }
0xb3: {  	s29 =	simm.s32 $0xA;
	_ =	strace $0x80000048  }
0xb4: {  	_ =	swait.ge [sflag:s29], $0x1  }
0xb5: {  	[sflag:s29] =	ssyncadd.s32 $0xFFFFFFFF  }
0xb6: {  	_ =	strace $0x90000048  }
0xb7: {  	_ =	sfence  }
0xb8: {  	s30 =	sld [smem:$0x0];
	_ =	sdelay $0x2  }
0xb9: {  	s31 =	sshll.u32 s1, $0xD;
	s1 =	sshrl.u32 s1, $0x2  }
0xba: {  	s3 =	sand.u32 $0x4000, s31;
	s1 =	sadd.s32 s1, s30  }
0xbb: {  	s0 =	sor.u32 s3, s0;
	s1 =	sshll.u32 s1, $0x11  }
0xbc: {  	s0 =	sor.u32 s1, s0  }
0xbd: {  	s0 =	sadd.s32 $0x8F2B, s0  }
0xbe: {  	[sflag:s0] =	ssyncadd.remote.s32 $0x1  }
0xbf: {  	_ =	sfence.sel $0xFFFF  }
0xc0: {  	[dreg:$0x0] =	wrdreg $0xFFFFFFFF;
	(pc) =	sbr.abs _section_cstart, $3  }
0xc1: {  	[dreg:$0x1] =	wrdreg $0xFFFFFFFF  }
0xc2: {  	_ =	task.clear_ibuf [dreg:s7], $0x2FFFF;
	_ =	strace $0x9FFFFFFF  }
0xc3: {  	(tm) =	ssettm $0x7FFFFFFF  }
tec
execute0_lowered:
.L_overlay_start_1:
0x0: {  	(tag) =	ssettag $0x1  }
0x1: {  	s6 =	rddreg [dreg:$0x0]  }
0x2: {  	s10 =	rddreg [dreg:$0x1]  }
0x3: {  	s0 =	srdreg.scid;
	s2 =	rddreg [dreg:$0x2];
	s3 =	simm.s32 $0x0  }
0x4: {  	s15 =	simm.s32 $0x3;
	s16 =	simm.s32 $0x1800;
	s17 =	simm.s32 $0x80  }
0x5: {  	s18 =	simm.s32 $0x7000;
	s19 =	simm.s32 $0x1;
	s20 =	simm.s32 $0x2  }
0x6: {  	s21 =	simm.s32 $0x1780;
	s22 =	simm.s32 $0x2F00;
	s5 =	sand.u32 $0x1, s0  }
0x7: {  	s23 =	simm.s32 $0x2F80;
	s0 =	stileid.u32;
	s7 =	smul.u32 $0x13C000, s5  }
0x8: {  	[smem:$0x7FF] =	sst s3;
	s1 =	sshll.u32 s5, $0x4;
	s8 =	smul.u32 $0x13C00, s0  }
0x9: {  	s9 =	smul.u32 $0x4F000, s0;
	s5 =	ssub.s32 $0x2, s5;
	s1 =	sor.u32 s0, s1  }
0xa: {  	s4 =	sadd.s32 $0x1600, s6;
	s31 =	sshrl.u32 s5, $0x1;
	s11 =	smul.u32 $0x300, s1  }
0xb: {  	s1 =	rddreg [dreg:$0x3];
	_ =	strace $0x80000047;
	s7 =	sadd.s32 s8, s7  }
0xc: {  	s9 =	sshrl.u32 s9, $0x2;
	s14 =	ssub.s32 s5, s31;
	s7 =	sshrl.u32 s7, $0x3  }
0xd: {  	s5 =	sadd.s32 s9, s2;
	s12 =	sadd.s32 s11, s6;
	s13 =	sadd.s32 s7, s6  }
0xe: {  	s6 =	sadd.s32 $0x4000, s5;
	s7 =	sadd.s32 $0x8000, s5;
	s8 =	sadd.s32 $0xC000, s5  }
0xf: {  	s9 =	sadd.s32 $0x10000, s5;
	s10 =	sadd.s32 s10, s11;
	s11 =	sadd.s32 $0x272600, s12  }
0x10: {  	v0 =	vimm.f32 $0.0e+00;
	s12 =	sadd.s32 $0x278600, s13;
	s13 =	smax.u32 s14, $0x1;
	s14 =	simm.s32 $0x3000  }
.LBB2_1:
0x11: {  	s24 =	simm.s32 $0x0;
	s25 =	simm.s32 $0x200  }
.LBB2_2:
0x12: {  	p0 =	sne.s32 s25, $0xFE00;
	[tilespmem:s24+$0x3070] =	vst v0  }
0x13: {  	[tilespmem:s24+$0x3000] =	vst v0  }
0x14: {  	[tilespmem:s24+$0x3010] =	vst v0  }
.Ltmp0:
0x15: {  	[tilespmem:s24+$0x3020] =	vst v0;
	(pc) =	sbr.rel @p0 .LBB2_2-.Ltmp0, $4  }
0x16: {  	[tilespmem:s24+$0x3030] =	vst v0  }
0x17: {  	[tilespmem:s24+$0x3040] =	vst v0  }
0x18: {  	[tilespmem:s24+$0x3050] =	vst v0  }
0x19: {  	[tilespmem:s24+$0x3060] =	vst v0;
	s24 =	sshra.s32 s25, $0x2;
	s25 =	sadd.s32 $0x200, s25  }
0x1a: {  	[tilespmem:s24+$0x3070] =	vst v0  }
0x1b: {  	[tilespmem:s24+$0x3000] =	vst v0  }
0x1c: {  	[tilespmem:s24+$0x3010] =	vst v0  }
0x1d: {  	[tilespmem:s24+$0x3020] =	vst v0  }
0x1e: {  	[tilespmem:s24+$0x3030] =	vst v0  }
0x1f: {  	[tilespmem:s24+$0x3040] =	vst v0  }
0x20: {  	[tilespmem:s24+$0x3050] =	vst v0  }
0x21: {  	[tilespmem:s24+$0x3060] =	vst v0  }
0x22: {  	[spmem:s5] =	stream.linear.scatter [tilespmem:s14], [sflag:$0x3], $0x4000, $0x38;
	[tilespmem:$0x1EC00] =	vst v63  }
0x23: {  	_ =	swait.ge [sflag:s15], $0x4000  }
0x24: {  	[sflag:s15] =	ssyncset.done $0x0  }
0x25: {  	[sflag:s15] =	ssyncadd.s32 $0xFFFFC000  }
0x26: {  	[spmem:s6] =	stream.linear.scatter [tilespmem:s14], [sflag:$0x3], $0x4000, $0x38;
	[tilespmem:$0x1EC00] =	vst v63  }
0x27: {  	_ =	swait.ge [sflag:s15], $0x4000  }
0x28: {  	[sflag:s15] =	ssyncset.done $0x0  }
0x29: {  	[sflag:s15] =	ssyncadd.s32 $0xFFFFC000  }
0x2a: {  	[spmem:s7] =	stream.linear.scatter [tilespmem:s14], [sflag:$0x3], $0x4000, $0x38;
	[tilespmem:$0x1EC00] =	vst v63  }
0x2b: {  	_ =	swait.ge [sflag:s15], $0x4000  }
0x2c: {  	[sflag:s15] =	ssyncset.done $0x0  }
0x2d: {  	[sflag:s15] =	ssyncadd.s32 $0xFFFFC000  }
0x2e: {  	[spmem:s8] =	stream.linear.scatter [tilespmem:s14], [sflag:$0x3], $0x4000, $0x38;
	[tilespmem:$0x1EC00] =	vst v63  }
0x2f: {  	_ =	swait.ge [sflag:s15], $0x4000  }
0x30: {  	[sflag:s15] =	ssyncset.done $0x0  }
0x31: {  	[sflag:s15] =	ssyncadd.s32 $0xFFFFC000  }
0x32: {  	[spmem:s9] =	stream.linear.scatter [tilespmem:s14], [sflag:$0x3], $0x3C00, $0x38;
	[tilespmem:$0x1EC00] =	vst v63  }
0x33: {  	_ =	swait.ge [sflag:s15], $0x3C00  }
0x34: {  	[sflag:s15] =	ssyncset.done $0x0  }
0x35: {  	s26 =	simm.s32 $0x0;
	[sflag:s15] =	ssyncadd.s32 $0xFFFFC400  }
0x36: {  	[tilespmem:s26], [sflag:$0x3] =	stream.linear.gather [hbm4b:s10+s26], $0x1800, $0x38;
	[tilespmem:$0x1EC00] =	vst v63  }
0x37: {  	_ =	swait.ge [sflag:s15], $0x1800  }
0x38: {  	[sflag:s15] =	ssyncset.done $0x0  }
0x39: {  	[sflag:s15] =	ssyncadd.s32 $0xFFFFE800  }
0x3a: {  	[tilespmem:s16], [sflag:$0x3] =	stream.linear.gather [hbm4b:s11+s26], $0x1800, $0x38;
	[tilespmem:$0x1EC00] =	vst v63  }
0x3b: {  	_ =	swait.ge [sflag:s15], $0x1800  }
0x3c: {  	[sflag:s15] =	ssyncset.done $0x0  }
0x3d: {  	[sflag:s15] =	ssyncadd.s32 $0xFFFFE800  }
0x3e: {  	[bflag:$0x0] =	sbarrier.arrive $0xFFFF  }
0x3f: {  	[tilespmem:s14], [sflag:$0x1] =	stream.indirect.gather [hbm4b:s4+s17], $0x80, s26, s17, $0xb8;
	[tilespmem:$0x1EC00] =	vst v63  }
0x40: {  	s28 =	simm.s32 $0x80  }
0x41: {  	[tilespmem:s18], [sflag:$0x2] =	stream.indirect.gather [hbm4b:s4+s17], $0x80, s28, s17, $0xb8;
	[tilespmem:$0x1EC00] =	vst v63  }
0x42: {  	_ =	swait.ge [sflag:s19], $0x4000  }
0x43: {  	[sflag:s19] =	ssyncset.done $0x0  }
0x44: {  	s29 =	simm.s32 $0x1800;
	[sflag:s19] =	ssyncadd.s32 $0xFFFFC000  }
0x45: {  	[spmem:s2] =	stream.indirect.scatter.add.f32 [tilespmem:s14], [sflag:$0x3], $0x80, s29, s17, $0xb8;
	[tilespmem:$0x1EC00] =	vst v63  }
0x46: {  	_ =	swait.ge [sflag:s15], $0x4000  }
0x47: {  	[sflag:s15] =	ssyncset.done $0x0  }
0x48: {  	s30 =	simm.s32 $0x100;
	[sflag:s15] =	ssyncadd.s32 $0xFFFFC000  }
0x49: {  	[tilespmem:s14], [sflag:$0x1] =	stream.indirect.gather [hbm4b:s4+s17], $0x80, s30, s17, $0xb8;
	[tilespmem:$0x1EC00] =	vst v63  }
0x4a: {  	_ =	swait.ge [sflag:s20], $0x4000  }
0x4b: {  	[sflag:s20] =	ssyncset.done $0x0  }
0x4c: {  	s31 =	simm.s32 $0x1880;
	[sflag:s20] =	ssyncadd.s32 $0xFFFFC000  }
0x4d: {  	[spmem:s2] =	stream.indirect.scatter.add.f32 [tilespmem:s18], [sflag:$0x3], $0x80, s31, s17, $0xb8;
	[tilespmem:$0x1EC00] =	vst v63  }
0x4e: {  	_ =	swait.ge [sflag:s15], $0x4000  }
0x4f: {  	s25 =	simm.s32 $0x800;
	s24 =	simm.s32 $0x100;
	[sflag:s15] =	ssyncset.done $0x0  }
.LBB2_4:
0x50: {  	s26 =	sadd.s32 $0x80, s24  }
0x51: {  	[sflag:s15] =	ssyncadd.s32 $0xFFFFC000;
	s28 =	smov.u32 s25;
	s29 =	sadd.s32 $0x400, s25  }
0x52: {  	[tilespmem:s18], [sflag:$0x2] =	stream.indirect.gather [hbm4b:s4+s17], $0x80, s26, s17, $0xb8;
	[tilespmem:$0x1EC00] =	vst v63  }
0x53: {  	p0 =	sne.s32 s25, $0x5800;
	_ =	swait.ge [sflag:s19], $0x4000  }
0x54: {  	[sflag:s19] =	ssyncset.done $0x0  }
0x55: {  	s25 =	sadd.s32 $0x1800, s24;
	[sflag:s19] =	ssyncadd.s32 $0xFFFFC000  }
0x56: {  	[spmem:s2] =	stream.indirect.scatter.add.f32 [tilespmem:s14], [sflag:$0x3], $0x80, s25, s17, $0xb8;
	[tilespmem:$0x1EC00] =	vst v63  }
0x57: {  	_ =	swait.ge [sflag:s15], $0x4000  }
0x58: {  	[sflag:s15] =	ssyncset.done $0x0  }
0x59: {  	s25 =	sadd.s32 $0x100, s24;
	[sflag:s15] =	ssyncadd.s32 $0xFFFFC000  }
0x5a: {  	[tilespmem:s14], [sflag:$0x1] =	stream.indirect.gather [hbm4b:s4+s17], $0x80, s25, s17, $0xb8;
	[tilespmem:$0x1EC00] =	vst v63  }
0x5b: {  	_ =	swait.ge [sflag:s20], $0x4000  }
.Ltmp1:
0x5c: {  	[sflag:s20] =	ssyncset.done $0x0;
	(pc) =	sbr.rel @p0 .LBB2_4-.Ltmp1, $4  }
0x5d: {  	s24 =	sadd.s32 $0x1880, s24;
	[sflag:s20] =	ssyncadd.s32 $0xFFFFC000  }
0x5e: {  	[spmem:s2] =	stream.indirect.scatter.add.f32 [tilespmem:s18], [sflag:$0x3], $0x80, s24, s17, $0xb8;
	[tilespmem:$0x1EC00] =	vst v63  }
0x5f: {  	_ =	swait.ge [sflag:s15], $0x4000  }
0x60: {  	s25 =	smov.u32 s29;
	s24 =	sshra.s32 s28, $0x2;
	[sflag:s15] =	ssyncset.done $0x0  }
0x61: {  	s25 =	sadd.s32 $0x80, s24;
	[sflag:s15] =	ssyncadd.s32 $0xFFFFC000  }
0x62: {  	[tilespmem:s18], [sflag:$0x2] =	stream.indirect.gather [hbm4b:s4+s17], $0x80, s25, s17, $0xb8;
	[tilespmem:$0x1EC00] =	vst v63  }
0x63: {  	_ =	swait.ge [sflag:s19], $0x4000  }
0x64: {  	[sflag:s19] =	ssyncset.done $0x0  }
0x65: {  	s26 =	sadd.s32 $0x1800, s24;
	[sflag:s19] =	ssyncadd.s32 $0xFFFFC000  }
0x66: {  	[spmem:s2] =	stream.indirect.scatter.add.f32 [tilespmem:s14], [sflag:$0x3], $0x80, s26, s17, $0xb8;
	[tilespmem:$0x1EC00] =	vst v63  }
0x67: {  	_ =	swait.ge [sflag:s15], $0x4000  }
0x68: {  	[sflag:s15] =	ssyncset.done $0x0  }
0x69: {  	s28 =	sadd.s32 $0x100, s24;
	[sflag:s15] =	ssyncadd.s32 $0xFFFFC000  }
0x6a: {  	[tilespmem:s14], [sflag:$0x1] =	stream.indirect.gather [hbm4b:s4+s17], $0x80, s28, s17, $0xb8;
	[tilespmem:$0x1EC00] =	vst v63  }
0x6b: {  	_ =	swait.ge [sflag:s20], $0x4000  }
0x6c: {  	[sflag:s20] =	ssyncset.done $0x0  }
0x6d: {  	s29 =	sadd.s32 $0x1880, s24;
	[sflag:s20] =	ssyncadd.s32 $0xFFFFC000  }
0x6e: {  	[spmem:s2] =	stream.indirect.scatter.add.f32 [tilespmem:s18], [sflag:$0x3], $0x80, s29, s17, $0xb8;
	[tilespmem:$0x1EC00] =	vst v63  }
0x6f: {  	_ =	swait.ge [sflag:s15], $0x4000  }
0x70: {  	[sflag:s15] =	ssyncset.done $0x0  }
0x71: {  	[sflag:s15] =	ssyncadd.s32 $0xFFFFC000  }
0x72: {  	[tilespmem:s18], [sflag:$0x2] =	stream.indirect.gather [hbm4b:s4+s17], $0x80, s21, s17, $0xb8;
	[tilespmem:$0x1EC00] =	vst v63  }
0x73: {  	_ =	swait.ge [sflag:s19], $0x4000  }
0x74: {  	[sflag:s19] =	ssyncset.done $0x0  }
0x75: {  	[sflag:s19] =	ssyncadd.s32 $0xFFFFC000  }
0x76: {  	[spmem:s2] =	stream.indirect.scatter.add.f32 [tilespmem:s14], [sflag:$0x3], $0x80, s22, s17, $0xb8;
	[tilespmem:$0x1EC00] =	vst v63  }
0x77: {  	_ =	swait.ge [sflag:s15], $0x4000  }
0x78: {  	[sflag:s15] =	ssyncset.done $0x0  }
0x79: {  	[sflag:s15] =	ssyncadd.s32 $0xFFFFC000  }
0x7a: {  	_ =	swait.ge [sflag:s20], $0x4000  }
0x7b: {  	[sflag:s20] =	ssyncset.done $0x0  }
0x7c: {  	[sflag:s20] =	ssyncadd.s32 $0xFFFFC000  }
0x7d: {  	[spmem:s2] =	stream.indirect.scatter.add.f32 [tilespmem:s18], [sflag:$0x3], $0x80, s23, s17, $0xb8;
	[tilespmem:$0x1EC00] =	vst v63  }
0x7e: {  	_ =	swait.ge [sflag:s15], $0x4000  }
0x7f: {  	s30 =	sshll.u32 s0, $0x6;
	s3 =	sadd.s32 $0x1, s3;
	[sflag:s15] =	ssyncset.done $0x0  }
0x80: {  	s31 =	sshrl.u32 s5, $0x3;
	p0 =	sne.s32 s3, s13;
	[sflag:s15] =	ssyncadd.s32 $0xFFFFC000  }
.Ltmp2:
0x81: {  	s24 =	sor.u32 $0x1C03, s30;
	[bflag:$0x0] =	sbarrier.arrive $0xFFFF;
	(pc) =	sbr.rel @p0 .LBB2_1-.Ltmp2, $4  }
0x82: {  	[hbm:s12], [sflag:s24] =	dma.local [spmem:s31], $0x2780  }
0x83: {  	_ =	swait.ge [sflag:s15], $0x2780  }
0x84: {  	[sflag:s15] =	ssyncset.done $0x0  }
0x85: {  	[sflag:s15] =	ssyncadd.s32 $0xFFFFD880  }
0x86: {  	_ =	sfence.sel $0x180000  }
0x87: {  	[bflag:$0x0] =	sbarrier.arrive $0xFFFF  }
0x88: {  	p0 =	sne.s32 s0, $0x0;
	_ =	strace $0x90000047  }
0x89: {  	s0 =	sadd.s32 @!p0 $0x100000, s1;
	[bflag:$0x2] =	sbarrier.arrive $0xFFFF  }
0x8a: {  	[sflag:s0] =	ssyncadd.tile.s32 @!p0 $0x1;
	_ =	shalt  }
.Lfunc_end2:
_tile_overlayer_lowered:
.L_overlay_start_2:
0x8b: {  	(tag) =	ssettag $0x2  }
0x8c: {  	s0 =	rddreg [dreg:$0x0];
	s2 =	stileid.u32  }
0x8d: {  	s1 =	rddreg [dreg:$0x1];
	p0 =	sne.s32 s2, $0x0  }
0x8e: {  	s3 =	rddreg [dreg:$0x2];
	[bflag:$0x3] =	sbarrier.arrive $0xFFFF;
	s2 =	simm.s32 @!p0 $0x1C03  }
0x8f: {  	[timem:s3], [sflag:s2] =	dma.local @!p0 [hbm:s0], s1  }
0x90: {  	s0 =	simm.s32 @!p0 $0x3  }
0x91: {  	_ =	swait.ge @!p0 [sflag:s0], s1  }
0x92: {  	s1 =	ssub.s32 @!p0 $0x0, s1;
	[sflag:s0] =	ssyncset.done @!p0 $0x0  }
0x93: {  	[sflag:s0] =	ssyncadd.s32 @!p0 s1  }
0x94: {  	[bflag:$0x3] =	sbarrier.arrive $0xFFFF  }
0x95: {  	_ =	shalt  }

// kernel: kernel.8.cloned.1.call-start
scs
__scs_entry_jumppad:
0x0: {  	(pc) =	sbr.rel $0x88, $3  }
0x1: {  	(tag) =	ssettag $0x0;
	lr =	simm.s32 $0x1  }
0x2: {  	[smem:$0x3F9D] =	sst lr;
	_ =	strace $0xD0000000  }
0x3: {  	_ = 	snop  }
0x4: {  	_ = 	snop  }
0x5: {  	_ = 	snop  }
0x6: {  	_ = 	snop  }
0x7: {  	_ = 	snop  }
__scs_overlays_trampoline_lowered:
0x8: {  	[smem:$0x3FAC] =	sst s0  }
0x9: {  	[smem:$0x3FAD] =	sst s1  }
0xa: {  	[smem:$0x3FAE] =	sst s2  }
0xb: {  	[smem:$0x3FAF] =	sst s3  }
0xc: {  	[smem:$0x3FB0] =	sst s4  }
0xd: {  	[smem:$0x3FB1] =	sst s5  }
0xe: {  	[smem:$0x3FB2] =	sst s6  }
0xf: {  	[smem:$0x3FB3] =	sst s7  }
0x10: {  	[smem:$0x3FB4] =	sst s8  }
0x11: {  	[smem:$0x3FB5] =	sst s9;
	s0 =	simm.s32 @!p0 $0x0  }
0x12: {  	s1 =	sld [smem:$0x3F9B];
	s0 =	simm.s32 @p0 $0x1  }
0x13: {  	[smem:$0x3FB6] =	sst s0;
	s0 =	simm.s32 @!p1 $0x0  }
0x14: {  	s2 =	sld [smem:$0x3F9A];
	s0 =	simm.s32 @p1 $0x1  }
0x15: {  	[smem:$0x3FB7] =	sst s0;
	s0 =	simm.s32 @!p2 $0x0  }
0x16: {  	s3 =	sld [smem:$0x3FDB];
	s0 =	simm.s32 @p2 $0x1  }
0x17: {  	s4 =	simm.s32 $0x1BF5;
	[smem:$0x3FB9] =	sst s0  }
0x18: {  	s0 =	sld [smem:$0x3F9C];
	_ =	swait.ge [sflag:s4], $0x0  }
0x19: {  	s7 =	sld [smem:$0x3F9D]  }
0x1a: {  	s8 =	sadd.s32 $0xFFFFE003, lr  }
0x1b: {  	s9 =	sadd.s32 $0xFFFFFEF7, lr;
	s5 =	simm.s32 $0xFFFFFFFF;
	p2 =	slt.u32 s8, $0xFFFFF086  }
0x1c: {  	p1 =	slt.u32 s9, $0xF7A;
	s5 =	simm.s32 @!p2 $0x0  }
0x1d: {  	s5 =	simm.s32 @p1 $0x1;
	p0 =	seq.s32 s7, s2  }
0x1e: {  	s7 =	smul.u32 @!p0 $0xF7A, s2;
	p2 =	seq.s32 @!p0 s5, $0x0  }
0x1f: {  	s9 =	smul.u32 $0xF7A, s1;
	s8 =	simm.s32 @!p0 $0x1BF5;
	p2 =	por !p2, p0  }
0x20: {  	[sflag:s8] =	ssyncset.s32 @!p0 $0xFFFFF086;
	s6 =	sadd.s32 @!p0 s3, s7;
	s7 =	simm.s32 @!p0 $0x108  }
0x21: {  	s3 =	sadd.s32 s3, s9;
	s6 =	sadd.s32 @!p0 $0x88, s6;
	s7 =	simm.s32 @p2 $0x1082  }
0x22: {  	[simem:s7], [sflag:s8] =	dma.local @!p0 [hbm:s6], $0xF7A  }
0x23: {  	s9 =	sor.u32 $0xD0000000, s2;
	s6 =	simm.s32 $0x108;
	_ =	swait.ge @!p0 [sflag:s8], $0x0  }
0x24: {  	s3 =	sadd.s32 $0x88, s3;
	s6 =	simm.s32 @!p1 $0x1082;
	[sflag:s4] =	ssyncset.s32 $0xFFFFF086  }
0x25: {  	[simem:s6], [sflag:s4] =	dma.local [hbm:s3], $0xF7A  }
0x26: {  	[smem:$0x3F9D] =	sst s1;
	(tag) =	ssettag s2;
	_ =	strace s9  }
0x27: {  	s1 =	sld [smem:$0x3FAD]  }
0x28: {  	s2 =	sld [smem:$0x3FAE]  }
0x29: {  	s4 =	sld [smem:$0x3FB0]  }
0x2a: {  	p0 =	seq.s32 s5, $0x0;
	s5 =	sld [smem:$0x3FB1]  }
0x2b: {  	s6 =	sld [smem:$0x3FB2]  }
0x2c: {  	s7 =	sld [smem:$0x3FB3]  }
0x2d: {  	s3 =	simm.s32 $0x108;
	s8 =	sld [smem:$0x3FB4]  }
0x2e: {  	s3 =	simm.s32 @!p0 $0x1082;
	s9 =	sld [smem:$0x3FB5]  }
0x2f: {  	lr =	sadd.s32 s0, s3;
	s0 =	sld [smem:$0x3FAC]  }
0x30: {  	s3 =	sld [smem:$0x3FAF]  }
0x31: {  	[smem:$0x3FB8] =	sst s10  }
0x32: {  	s10 =	sld [smem:$0x3FB6];
	_ =	sdelay $0x3  }
0x33: {  	p0 =	seq.s32 s10, $0x1;
	s10 =	sld [smem:$0x3FB8];
	_ =	sdelay $0x3  }
0x34: {  	[smem:$0x3FB8] =	sst s10  }
0x35: {  	s10 =	sld [smem:$0x3FB7];
	_ =	sdelay $0x3  }
0x36: {  	p1 =	seq.s32 s10, $0x1;
	s10 =	sld [smem:$0x3FB8];
	_ =	sdelay $0x3  }
0x37: {  	[smem:$0x3FB8] =	sst s10  }
0x38: {  	s10 =	sld [smem:$0x3FB9]  }
0x39: {  	_ = 	snop;
	(pc) =	sbr.ind lr, $3  }
0x3a: {  	_ = 	snop  }
0x3b: {  	_ = 	snop  }
0x3c: {  	p2 =	seq.s32 s10, $0x1;
	s10 =	sld [smem:$0x3FB8]  }
0x3d: {  	_ =	shalt  }
0x3e: {  	_ =	shalt  }
0x3f: {  	_ =	shalt  }
0x40: {  	_ =	shalt  }
0x41: {  	_ =	shalt  }
0x42: {  	_ =	shalt  }
0x43: {  	_ =	shalt  }
0x44: {  	_ =	shalt  }
0x45: {  	_ =	shalt  }
0x46: {  	_ =	shalt  }
0x47: {  	_ =	shalt  }
0x48: {  	_ =	shalt  }
0x49: {  	_ =	shalt  }
0x4a: {  	_ =	shalt  }
0x4b: {  	_ =	shalt  }
0x4c: {  	_ =	shalt  }
0x4d: {  	_ =	shalt  }
0x4e: {  	_ =	shalt  }
0x4f: {  	_ =	shalt  }
0x50: {  	_ =	shalt  }
0x51: {  	_ =	shalt  }
0x52: {  	_ =	shalt  }
0x53: {  	_ =	shalt  }
0x54: {  	_ =	shalt  }
0x55: {  	_ =	shalt  }
0x56: {  	_ =	shalt  }
0x57: {  	_ =	shalt  }
0x58: {  	_ =	shalt  }
0x59: {  	_ =	shalt  }
0x5a: {  	_ =	shalt  }
0x5b: {  	_ =	shalt  }
0x5c: {  	_ =	shalt  }
0x5d: {  	_ =	shalt  }
0x5e: {  	_ =	shalt  }
0x5f: {  	_ =	shalt  }
0x60: {  	_ =	shalt  }
0x61: {  	_ =	shalt  }
0x62: {  	_ =	shalt  }
0x63: {  	_ =	shalt  }
0x64: {  	_ =	shalt  }
0x65: {  	_ =	shalt  }
0x66: {  	_ =	shalt  }
0x67: {  	_ =	shalt  }
0x68: {  	_ =	shalt  }
0x69: {  	_ =	shalt  }
0x6a: {  	_ =	shalt  }
0x6b: {  	_ =	shalt  }
0x6c: {  	_ =	shalt  }
0x6d: {  	_ =	shalt  }
0x6e: {  	_ =	shalt  }
0x6f: {  	_ =	shalt  }
0x70: {  	_ =	shalt  }
0x71: {  	_ =	shalt  }
0x72: {  	_ =	shalt  }
0x73: {  	_ =	shalt  }
0x74: {  	_ =	shalt  }
0x75: {  	_ =	shalt  }
0x76: {  	_ =	shalt  }
0x77: {  	_ =	shalt  }
0x78: {  	_ =	shalt  }
0x79: {  	_ =	shalt  }
0x7a: {  	_ =	shalt  }
0x7b: {  	_ =	shalt  }
0x7c: {  	_ =	shalt  }
0x7d: {  	_ =	shalt  }
0x7e: {  	_ =	shalt  }
0x7f: {  	_ =	shalt  }
0x80: {  	_ =	shalt  }
0x81: {  	_ =	shalt  }
0x82: {  	_ =	shalt  }
0x83: {  	_ =	shalt  }
0x84: {  	_ =	shalt  }
0x85: {  	_ =	shalt  }
0x86: {  	_ =	shalt  }
0x87: {  	_ =	shalt  }
.Lfunc_end0:
.L_simem_size_0:
called_computation_lowered:
.L_overlay_start_0:
0x88: {  	s2 =	sld [smem:$0x3FD9]  }
0x89: {  	s3 =	sld [smem:$0x3FFE];
	_ =	sdelay $0x1  }
0x8a: {  	s1 =	srdreg.scid  }
0x8b: {  	s0 =	sand.u32 $0x1, s1  }
0x8c: {  	s17 =	sshll.u32 s0, $0xA;
	s2 =	sadd.s32 s3, s2  }
0x8d: {  	s2 =	sadd.s32 s2, s17  }
0x8e: {  	[smem:$0x3FC4] =	sst s2  }
0x8f: {  	_ = 	snop  }
0x90: {  	(tm) =	ssettm $0x1  }
0x91: {  	s18 =	sld [smem:$0x3FFB];
	_ =	sdelay $0x3  }
0x92: {  	_ =	strace s18  }
0x93: {  	s2 =	sld [smem:$0x3FFC];
	_ =	sdelay $0x3  }
0x94: {  	_ =	strace s2  }
0x95: {  	s2 =	sld [smem:$0x3FFD];
	_ =	sdelay $0x3  }
0x96: {  	_ =	strace s2  }
0x97: {  	_ =	strace $0x8FFFFFFF  }
0x98: {  	s19 =	sld [smem:$0x3FDB];
	_ =	sdelay $0x1  }
0x99: {  	s20 =	simm.s32 $_scs_section_size  }
0x9a: {  	s4 =	simm.s32 $_size__tile_overlayer_lowered;
	s5 =	simm.s32 $_tile_overlayer_lowered  }
0x9b: {  	s6 =	simm.s32 $0x1BFF;
	s21 =	sshll.u32 s5, $0x1;
	s3 =	sadd.s32 s20, s19  }
0x9c: {  	s22 =	simm.s32 $0x0;
	s4 =	sshll.u32 s4, $0x1;
	s5 =	sadd.s32 s21, s3  }
0x9d: {  	[timem:s22], [sflag:s6] =	dma.local [hbm:s5], s4  }
0x9e: {  	_ =	swait.ge [sflag:s6], s4  }
0x9f: {  	s4 =	ssub.s32 $0x0, s4;
	[sflag:s6] =	ssyncset.done $0x0  }
0xa0: {  	[sflag:s6] =	ssyncadd.s32 s4;
	_ =	sdelay $0x1  }
0xa1: {  	s23 =	simm.s32 $0x1B8B  }
0xa2: {  	_ =	swait.ge [sflag:s23], $0x1  }
0xa3: {  	[sflag:s23] =	ssyncset.done $0x0  }
0xa4: {  	[sflag:s23] =	ssyncadd.s32 $0xFFFFFFFF  }
0xa5: {  	s4 =	sld [smem:$0x0]  }
0xa6: {  	s5 =	sand.u32 $0xFFFFFFFE, s1  }
0xa7: {  	p0 =	sne.s32 s1, s5  }
0xa8: {  	s5 =	sshll.u32 @p0 s5, $0xE  }
0xa9: {  	s5 =	sadd.s32 @p0 $0x11B8D, s5;
	s6 =	sshll.u32 @p0 s4, $0x11  }
0xaa: {  	s5 =	sor.u32 @p0 s6, s5  }
0xab: {  	[sflag:s5] =	ssyncadd.remote.s32 @p0 $0x1;
	_ =	sdelay $0x1  }
0xac: {  	s5 =	simm.s32 @p0 $0x1B8D  }
0xad: {  	_ =	swait.eq @p0 [sflag:s5], $0x1  }
0xae: {  	[sflag:s5] =	ssyncadd.s32 @p0 $0xFFFFFFFF  }
0xaf: {  	s6 =	sshll.u32 @!p0 s1, $0xE  }
0xb0: {  	s6 =	sor.u32 @!p0 $0x4000, s6;
	s5 =	simm.s32 @!p0 $0x1B8D  }
0xb1: {  	s4 =	sshll.u32 @!p0 s4, $0x11;
	s6 =	sadd.s32 @!p0 $0x11B8D, s6;
	_ =	swait.eq @!p0 [sflag:s5], $0x1  }
0xb2: {  	s4 =	sor.u32 @!p0 s4, s6;
	[sflag:s5] =	ssyncadd.s32 @!p0 $0xFFFFFFFF  }
0xb3: {  	s25 =	simm.s32 $0x1B8E;
	s24 =	sld [smem:$0x3FFE];
	[sflag:s4] =	ssyncadd.remote.s32 @!p0 $0x1  }
0xb4: {  	s26 =	simm.s32 $execute0_lowered;
	[smem:$0x3FD2] =	sst s25  }
0xb5: {  	s5 =	sshll.u32 s26, $0x1;
	_ =	strace $0x80000049;
	[dreg:$0x1] =	wrdreg $0xFFFFFFFF  }
0xb6: {  	s28 =	simm.s32 $_size_execute0_lowered;
	s3 =	sadd.s32 s3, s5;
	[dreg:$0x0] =	wrdreg $0x0  }
0xb7: {  	s5 =	sshll.u32 s28, $0x1;
	[dreg:$0x2] =	wrdreg s3  }
0xb8: {  	[dreg:$0x3] =	wrdreg s5  }
0xb9: {  	[dreg:$0x4] =	wrdreg $0xC0  }
0xba: {  	_ =	task [dreg:s22], $0x5FFFF  }
0xbb: {  	[dreg:$0x1] =	wrdreg $0xFFFFFFFF  }
0xbc: {  	[dreg:$0x0] =	wrdreg $0x60  }
0xbd: {  	[dreg:$0x2] =	wrdreg s24  }
0xbe: {  	[dreg:$0x3] =	wrdreg $0xA8000  }
0xbf: {  	[dreg:$0x4] =	wrdreg $0x9  }
0xc0: {  	_ =	task.clear_ibuf [dreg:s22], $0x5FFFF;
	_ =	strace $0x90000049  }
0xc1: {  	s29 =	simm.s32 $0x9;
	_ =	strace $0x8000004B  }
0xc2: {  	_ =	swait.ge [sflag:s29], $0x1  }
0xc3: {  	[sflag:s29] =	ssyncadd.s32 $0xFFFFFFFF  }
0xc4: {  	_ =	strace $0x9000004B  }
0xc5: {  	_ =	sfence  }
0xc6: {  	s30 =	sld [smem:$0x0];
	_ =	sdelay $0x2  }
0xc7: {  	s31 =	sshll.u32 s1, $0xD;
	s1 =	sshrl.u32 s1, $0x2  }
0xc8: {  	s4 =	sand.u32 $0x4000, s31;
	s1 =	sadd.s32 s1, s30  }
0xc9: {  	s0 =	sor.u32 s4, s0;
	s1 =	sshll.u32 s1, $0x11  }
0xca: {  	s0 =	sor.u32 s1, s0  }
0xcb: {  	s0 =	sadd.s32 $0x8F2B, s0  }
0xcc: {  	[sflag:s0] =	ssyncadd.remote.s32 $0x1  }
0xcd: {  	_ =	sfence.sel $0xFFFF  }
0xce: {  	[dreg:$0x0] =	wrdreg $0xFFFFFFFF;
	(pc) =	sbr.abs _section_cstart, $3  }
0xcf: {  	[dreg:$0x1] =	wrdreg $0xFFFFFFFF  }
0xd0: {  	_ =	task.clear_ibuf [dreg:s22], $0x2FFFF;
	_ =	strace $0x9FFFFFFF  }
0xd1: {  	(tm) =	ssettm $0x7FFFFFFF  }
tec
execute0_lowered:
.L_overlay_start_1:
0x0: {  	(tag) =	ssettag $0x1  }
0x1: {  	s6 =	rddreg [dreg:$0x0]  }
0x2: {  	s0 =	srdreg.scid;
	s2 =	rddreg [dreg:$0x1];
	s3 =	simm.s32 $0x0  }
0x3: {  	s14 =	simm.s32 $0x2800;
	s15 =	simm.s32 $0x3;
	s16 =	simm.s32 $0x1400  }
0x4: {  	s17 =	simm.s32 $0x80;
	s18 =	simm.s32 $0x6800;
	s19 =	simm.s32 $0x1  }
0x5: {  	s20 =	simm.s32 $0x2;
	s21 =	simm.s32 $0x1080;
	s22 =	simm.s32 $0x2400  }
0x6: {  	s23 =	simm.s32 $0x2480;
	s5 =	sand.u32 $0x1, s0;
	s0 =	stileid.u32  }
0x7: {  	[smem:$0x7FF] =	sst s3;
	s4 =	sadd.s32 $0x2C7600, s6;
	s8 =	smul.u32 $0x13C000, s5  }
0x8: {  	s1 =	sshll.u32 s5, $0x4;
	s9 =	smul.u32 $0x13C00, s0;
	s31 =	ssub.s32 $0x2, s5  }
0x9: {  	s10 =	smul.u32 $0x4F000, s0;
	s1 =	sor.u32 s0, s1;
	s13 =	sshrl.u32 s31, $0x1  }
0xa: {  	s7 =	smul.u32 $0x280, s1;
	s1 =	rddreg [dreg:$0x2];
	_ =	strace $0x8000004A  }
0xb: {  	s29 =	sadd.s32 s9, s8;
	s30 =	sshrl.u32 s10, $0x2;
	s13 =	ssub.s32 s31, s13  }
0xc: {  	s5 =	sadd.s32 s30, s2;
	s11 =	sadd.s32 s7, s6;
	s7 =	sshrl.u32 s29, $0x3  }
0xd: {  	s8 =	sadd.s32 $0xC000, s5;
	s9 =	sadd.s32 $0x10000, s5;
	s12 =	sadd.s32 s7, s6  }
0xe: {  	s6 =	sadd.s32 $0x4000, s5;
	s7 =	sadd.s32 $0x8000, s5;
	s10 =	sadd.s32 $0x475200, s11  }
0xf: {  	v0 =	vimm.f32 $0.0e+00;
	s13 =	smax.u32 s13, $0x1;
	s11 =	sadd.s32 $0x47A200, s11;
	s12 =	sadd.s32 $0x47F200, s12  }
.LBB2_1:
0x10: {  	s24 =	simm.s32 $0x0;
	s25 =	simm.s32 $0x200  }
.LBB2_2:
0x11: {  	p0 =	sne.s32 s25, $0xFE00;
	[tilespmem:s24+$0x2870] =	vst v0  }
0x12: {  	[tilespmem:s24+$0x2800] =	vst v0  }
0x13: {  	[tilespmem:s24+$0x2810] =	vst v0  }
.Ltmp0:
0x14: {  	[tilespmem:s24+$0x2820] =	vst v0;
	(pc) =	sbr.rel @p0 .LBB2_2-.Ltmp0, $4  }
0x15: {  	[tilespmem:s24+$0x2830] =	vst v0  }
0x16: {  	[tilespmem:s24+$0x2840] =	vst v0  }
0x17: {  	[tilespmem:s24+$0x2850] =	vst v0  }
0x18: {  	[tilespmem:s24+$0x2860] =	vst v0;
	s24 =	sshra.s32 s25, $0x2;
	s25 =	sadd.s32 $0x200, s25  }
0x19: {  	[tilespmem:s24+$0x2870] =	vst v0  }
0x1a: {  	[tilespmem:s24+$0x2800] =	vst v0  }
0x1b: {  	[tilespmem:s24+$0x2810] =	vst v0  }
0x1c: {  	[tilespmem:s24+$0x2820] =	vst v0  }
0x1d: {  	[tilespmem:s24+$0x2830] =	vst v0  }
0x1e: {  	[tilespmem:s24+$0x2840] =	vst v0  }
0x1f: {  	[tilespmem:s24+$0x2850] =	vst v0  }
0x20: {  	[tilespmem:s24+$0x2860] =	vst v0  }
0x21: {  	[spmem:s5] =	stream.linear.scatter [tilespmem:s14], [sflag:$0x3], $0x4000, $0x38;
	[tilespmem:$0x1E400] =	vst v63  }
0x22: {  	_ =	swait.ge [sflag:s15], $0x4000  }
0x23: {  	[sflag:s15] =	ssyncset.done $0x0  }
0x24: {  	[sflag:s15] =	ssyncadd.s32 $0xFFFFC000  }
0x25: {  	[spmem:s6] =	stream.linear.scatter [tilespmem:s14], [sflag:$0x3], $0x4000, $0x38;
	[tilespmem:$0x1E400] =	vst v63  }
0x26: {  	_ =	swait.ge [sflag:s15], $0x4000  }
0x27: {  	[sflag:s15] =	ssyncset.done $0x0  }
0x28: {  	[sflag:s15] =	ssyncadd.s32 $0xFFFFC000  }
0x29: {  	[spmem:s7] =	stream.linear.scatter [tilespmem:s14], [sflag:$0x3], $0x4000, $0x38;
	[tilespmem:$0x1E400] =	vst v63  }
0x2a: {  	_ =	swait.ge [sflag:s15], $0x4000  }
0x2b: {  	[sflag:s15] =	ssyncset.done $0x0  }
0x2c: {  	[sflag:s15] =	ssyncadd.s32 $0xFFFFC000  }
0x2d: {  	[spmem:s8] =	stream.linear.scatter [tilespmem:s14], [sflag:$0x3], $0x4000, $0x38;
	[tilespmem:$0x1E400] =	vst v63  }
0x2e: {  	_ =	swait.ge [sflag:s15], $0x4000  }
0x2f: {  	[sflag:s15] =	ssyncset.done $0x0  }
0x30: {  	[sflag:s15] =	ssyncadd.s32 $0xFFFFC000  }
0x31: {  	[spmem:s9] =	stream.linear.scatter [tilespmem:s14], [sflag:$0x3], $0x3C00, $0x38;
	[tilespmem:$0x1E400] =	vst v63  }
0x32: {  	_ =	swait.ge [sflag:s15], $0x3C00  }
0x33: {  	[sflag:s15] =	ssyncset.done $0x0  }
0x34: {  	s26 =	simm.s32 $0x0;
	[sflag:s15] =	ssyncadd.s32 $0xFFFFC400  }
0x35: {  	[tilespmem:s26], [sflag:$0x3] =	stream.linear.gather [hbm4b:s10+s26], $0x1100, $0x38;
	[tilespmem:$0x1E400] =	vst v63  }
0x36: {  	_ =	swait.ge [sflag:s15], $0x1100  }
0x37: {  	[sflag:s15] =	ssyncset.done $0x0  }
0x38: {  	[sflag:s15] =	ssyncadd.s32 $0xFFFFEF00  }
0x39: {  	[tilespmem:s16], [sflag:$0x3] =	stream.linear.gather [hbm4b:s11+s26], $0x1100, $0x38;
	[tilespmem:$0x1E400] =	vst v63  }
0x3a: {  	_ =	swait.ge [sflag:s15], $0x1100  }
0x3b: {  	[sflag:s15] =	ssyncset.done $0x0  }
0x3c: {  	[sflag:s15] =	ssyncadd.s32 $0xFFFFEF00  }
0x3d: {  	[bflag:$0x0] =	sbarrier.arrive $0xFFFF  }
0x3e: {  	[tilespmem:s14], [sflag:$0x1] =	stream.indirect.gather [hbm4b:s4+s17], $0x80, s26, s17, $0xb8;
	[tilespmem:$0x1E400] =	vst v63  }
0x3f: {  	s28 =	simm.s32 $0x80  }
0x40: {  	[tilespmem:s18], [sflag:$0x2] =	stream.indirect.gather [hbm4b:s4+s17], $0x80, s28, s17, $0xb8;
	[tilespmem:$0x1E400] =	vst v63  }
0x41: {  	_ =	swait.ge [sflag:s19], $0x4000  }
0x42: {  	[sflag:s19] =	ssyncset.done $0x0  }
0x43: {  	s29 =	simm.s32 $0x1400;
	[sflag:s19] =	ssyncadd.s32 $0xFFFFC000  }
0x44: {  	[spmem:s2] =	stream.indirect.scatter.add.f32 [tilespmem:s14], [sflag:$0x3], $0x80, s29, s17, $0xb8;
	[tilespmem:$0x1E400] =	vst v63  }
0x45: {  	_ =	swait.ge [sflag:s15], $0x4000  }
0x46: {  	[sflag:s15] =	ssyncset.done $0x0  }
0x47: {  	s30 =	simm.s32 $0x100;
	[sflag:s15] =	ssyncadd.s32 $0xFFFFC000  }
0x48: {  	[tilespmem:s14], [sflag:$0x1] =	stream.indirect.gather [hbm4b:s4+s17], $0x80, s30, s17, $0xb8;
	[tilespmem:$0x1E400] =	vst v63  }
0x49: {  	_ =	swait.ge [sflag:s20], $0x4000  }
0x4a: {  	[sflag:s20] =	ssyncset.done $0x0  }
0x4b: {  	s31 =	simm.s32 $0x1480;
	[sflag:s20] =	ssyncadd.s32 $0xFFFFC000  }
0x4c: {  	[spmem:s2] =	stream.indirect.scatter.add.f32 [tilespmem:s18], [sflag:$0x3], $0x80, s31, s17, $0xb8;
	[tilespmem:$0x1E400] =	vst v63  }
0x4d: {  	_ =	swait.ge [sflag:s15], $0x4000  }
0x4e: {  	s25 =	simm.s32 $0x800;
	s24 =	simm.s32 $0x100;
	[sflag:s15] =	ssyncset.done $0x0  }
.LBB2_4:
0x4f: {  	s26 =	sadd.s32 $0x80, s24  }
0x50: {  	[sflag:s15] =	ssyncadd.s32 $0xFFFFC000;
	s28 =	smov.u32 s25;
	s29 =	sadd.s32 $0x400, s25  }
0x51: {  	[tilespmem:s18], [sflag:$0x2] =	stream.indirect.gather [hbm4b:s4+s17], $0x80, s26, s17, $0xb8;
	[tilespmem:$0x1E400] =	vst v63  }
0x52: {  	p0 =	sne.s32 s25, $0x3C00;
	_ =	swait.ge [sflag:s19], $0x4000  }
0x53: {  	[sflag:s19] =	ssyncset.done $0x0  }
0x54: {  	s25 =	sadd.s32 $0x1400, s24;
	[sflag:s19] =	ssyncadd.s32 $0xFFFFC000  }
0x55: {  	[spmem:s2] =	stream.indirect.scatter.add.f32 [tilespmem:s14], [sflag:$0x3], $0x80, s25, s17, $0xb8;
	[tilespmem:$0x1E400] =	vst v63  }
0x56: {  	_ =	swait.ge [sflag:s15], $0x4000  }
0x57: {  	[sflag:s15] =	ssyncset.done $0x0  }
0x58: {  	s25 =	sadd.s32 $0x100, s24;
	[sflag:s15] =	ssyncadd.s32 $0xFFFFC000  }
0x59: {  	[tilespmem:s14], [sflag:$0x1] =	stream.indirect.gather [hbm4b:s4+s17], $0x80, s25, s17, $0xb8;
	[tilespmem:$0x1E400] =	vst v63  }
0x5a: {  	_ =	swait.ge [sflag:s20], $0x4000  }
.Ltmp1:
0x5b: {  	[sflag:s20] =	ssyncset.done $0x0;
	(pc) =	sbr.rel @p0 .LBB2_4-.Ltmp1, $4  }
0x5c: {  	s24 =	sadd.s32 $0x1480, s24;
	[sflag:s20] =	ssyncadd.s32 $0xFFFFC000  }
0x5d: {  	[spmem:s2] =	stream.indirect.scatter.add.f32 [tilespmem:s18], [sflag:$0x3], $0x80, s24, s17, $0xb8;
	[tilespmem:$0x1E400] =	vst v63  }
0x5e: {  	_ =	swait.ge [sflag:s15], $0x4000  }
0x5f: {  	s25 =	smov.u32 s29;
	s24 =	sshra.s32 s28, $0x2;
	[sflag:s15] =	ssyncset.done $0x0  }
0x60: {  	s25 =	sadd.s32 $0x80, s24;
	[sflag:s15] =	ssyncadd.s32 $0xFFFFC000  }
0x61: {  	[tilespmem:s18], [sflag:$0x2] =	stream.indirect.gather [hbm4b:s4+s17], $0x80, s25, s17, $0xb8;
	[tilespmem:$0x1E400] =	vst v63  }
0x62: {  	_ =	swait.ge [sflag:s19], $0x4000  }
0x63: {  	[sflag:s19] =	ssyncset.done $0x0  }
0x64: {  	s26 =	sadd.s32 $0x1400, s24;
	[sflag:s19] =	ssyncadd.s32 $0xFFFFC000  }
0x65: {  	[spmem:s2] =	stream.indirect.scatter.add.f32 [tilespmem:s14], [sflag:$0x3], $0x80, s26, s17, $0xb8;
	[tilespmem:$0x1E400] =	vst v63  }
0x66: {  	_ =	swait.ge [sflag:s15], $0x4000  }
0x67: {  	[sflag:s15] =	ssyncset.done $0x0  }
0x68: {  	s28 =	sadd.s32 $0x100, s24;
	[sflag:s15] =	ssyncadd.s32 $0xFFFFC000  }
0x69: {  	[tilespmem:s14], [sflag:$0x1] =	stream.indirect.gather [hbm4b:s4+s17], $0x80, s28, s17, $0xb8;
	[tilespmem:$0x1E400] =	vst v63  }
0x6a: {  	_ =	swait.ge [sflag:s20], $0x4000  }
0x6b: {  	[sflag:s20] =	ssyncset.done $0x0  }
0x6c: {  	s29 =	sadd.s32 $0x1480, s24;
	[sflag:s20] =	ssyncadd.s32 $0xFFFFC000  }
0x6d: {  	[spmem:s2] =	stream.indirect.scatter.add.f32 [tilespmem:s18], [sflag:$0x3], $0x80, s29, s17, $0xb8;
	[tilespmem:$0x1E400] =	vst v63  }
0x6e: {  	_ =	swait.ge [sflag:s15], $0x4000  }
0x6f: {  	[sflag:s15] =	ssyncset.done $0x0  }
0x70: {  	[sflag:s15] =	ssyncadd.s32 $0xFFFFC000  }
0x71: {  	[tilespmem:s18], [sflag:$0x2] =	stream.indirect.gather [hbm4b:s4+s17], $0x80, s21, s17, $0xb8;
	[tilespmem:$0x1E400] =	vst v63  }
0x72: {  	_ =	swait.ge [sflag:s19], $0x4000  }
0x73: {  	[sflag:s19] =	ssyncset.done $0x0  }
0x74: {  	[sflag:s19] =	ssyncadd.s32 $0xFFFFC000  }
0x75: {  	[spmem:s2] =	stream.indirect.scatter.add.f32 [tilespmem:s14], [sflag:$0x3], $0x80, s22, s17, $0xb8;
	[tilespmem:$0x1E400] =	vst v63  }
0x76: {  	_ =	swait.ge [sflag:s15], $0x4000  }
0x77: {  	[sflag:s15] =	ssyncset.done $0x0  }
0x78: {  	[sflag:s15] =	ssyncadd.s32 $0xFFFFC000  }
0x79: {  	_ =	swait.ge [sflag:s20], $0x4000  }
0x7a: {  	[sflag:s20] =	ssyncset.done $0x0  }
0x7b: {  	[sflag:s20] =	ssyncadd.s32 $0xFFFFC000  }
0x7c: {  	[spmem:s2] =	stream.indirect.scatter.add.f32 [tilespmem:s18], [sflag:$0x3], $0x80, s23, s17, $0xb8;
	[tilespmem:$0x1E400] =	vst v63  }
0x7d: {  	_ =	swait.ge [sflag:s15], $0x4000  }
0x7e: {  	s30 =	sshll.u32 s0, $0x6;
	s3 =	sadd.s32 $0x1, s3;
	[sflag:s15] =	ssyncset.done $0x0  }
0x7f: {  	s31 =	sshrl.u32 s5, $0x3;
	p0 =	sne.s32 s3, s13;
	[sflag:s15] =	ssyncadd.s32 $0xFFFFC000  }
.Ltmp2:
0x80: {  	s24 =	sor.u32 $0x1C03, s30;
	[bflag:$0x0] =	sbarrier.arrive $0xFFFF;
	(pc) =	sbr.rel @p0 .LBB2_1-.Ltmp2, $4  }
0x81: {  	[hbm:s12], [sflag:s24] =	dma.local [spmem:s31], $0x2780  }
0x82: {  	_ =	swait.ge [sflag:s15], $0x2780  }
0x83: {  	[sflag:s15] =	ssyncset.done $0x0  }
0x84: {  	[sflag:s15] =	ssyncadd.s32 $0xFFFFD880  }
0x85: {  	_ =	sfence.sel $0x180000  }
0x86: {  	[bflag:$0x0] =	sbarrier.arrive $0xFFFF  }
0x87: {  	p0 =	sne.s32 s0, $0x0;
	_ =	strace $0x9000004A  }
0x88: {  	s0 =	sadd.s32 @!p0 $0x100000, s1;
	[bflag:$0x2] =	sbarrier.arrive $0xFFFF  }
0x89: {  	[sflag:s0] =	ssyncadd.tile.s32 @!p0 $0x1;
	_ =	shalt  }
.Lfunc_end2:
_tile_overlayer_lowered:
.L_overlay_start_2:
0x8a: {  	(tag) =	ssettag $0x2  }
0x8b: {  	s0 =	rddreg [dreg:$0x0];
	s2 =	stileid.u32  }
0x8c: {  	s1 =	rddreg [dreg:$0x1];
	p0 =	sne.s32 s2, $0x0  }
0x8d: {  	s3 =	rddreg [dreg:$0x2];
	[bflag:$0x3] =	sbarrier.arrive $0xFFFF;
	s2 =	simm.s32 @!p0 $0x1C03  }
0x8e: {  	[timem:s3], [sflag:s2] =	dma.local @!p0 [hbm:s0], s1  }
0x8f: {  	s0 =	simm.s32 @!p0 $0x3  }
0x90: {  	_ =	swait.ge @!p0 [sflag:s0], s1  }
0x91: {  	s1 =	ssub.s32 @!p0 $0x0, s1;
	[sflag:s0] =	ssyncset.done @!p0 $0x0  }
0x92: {  	[sflag:s0] =	ssyncadd.s32 @!p0 s1  }
0x93: {  	[bflag:$0x3] =	sbarrier.arrive $0xFFFF  }
0x94: {  	_ =	shalt  }

</sc_bundles>
